<compile_context>
chip_gen: v7x
topology: tpu7x:2x2x1
jax: 0.10.2.dev20260603
libtpu: 0.0.44.dev20260713+nightly
codegen_flags: <defaults>
</compile_context>

<pallas_src>
import functools

import jax
import jax.numpy as jnp
from jax import lax
from jax.experimental import pallas as pl
from jax.experimental.pallas import tpu as pltpu
from jax.experimental.pallas import tpu_sc as plsc

NEG_INF = -3.0e38
I32_MAX = 2147483647
SEG = 32

_SC_NC = 2
_SC_NS = 16
_SC_NW = _SC_NC * _SC_NS


def _pick_block(m):
    for c in (20000, 8000, 4000, 1600, 800, 320, 160, 64, 32):
        if m % c == 0:
            return c
    return m


def _topk_cols(vals, ids, k, axis):
    out_v, out_i = [], []
    for _ in range(k):
        m = jnp.max(vals, axis=axis, keepdims=True)
        is_max = vals == m
        cid = jnp.min(jnp.where(is_max, ids, I32_MAX), axis=axis,
                      keepdims=True)
        out_v.append(m)
        out_i.append(cid)
        vals = jnp.where(is_max & (ids == cid), NEG_INF, vals)
    return (jnp.concatenate(out_v, axis=axis),
            jnp.concatenate(out_i, axis=axis))


def _qn_bf16(q_ref):
    q = q_ref[...]
    qn = q / (jnp.sqrt(jnp.sum(q * q, axis=1, keepdims=True)) + 1e-6)
    return qn.astype(jnp.bfloat16)


def _scan_body(q_ref, kb_ref, topseg_ref, topv_ref, topi_s_ref, *, blk, k):
    i = pl.program_id(0)

    @pl.when(i == 0)
    def _init():
        topv_ref[...] = jnp.full_like(topv_ref, NEG_INF)
        topi_s_ref[...] = jnp.zeros_like(topi_s_ref)

    qn = _qn_bf16(q_ref)
    kb = kb_ref[...]
    inv = 1.0 / (jnp.sqrt(jnp.sum(kb * kb, axis=1, keepdims=True)) + 1e-6)
    kn = kb * inv
    s = lax.dot_general(kn.astype(jnp.bfloat16), qn,
                        (((1,), (1,)), ((), ())),
                        preferred_element_type=jnp.float32)
    nseg = blk // SEG
    segm = jnp.max(s.reshape(nseg, SEG, s.shape[1]), axis=1)
    ids = i * nseg + lax.broadcasted_iota(jnp.int32, segm.shape, 0)

    vals = jnp.concatenate([topv_ref[...], segm], axis=0)
    aids = jnp.concatenate([topi_s_ref[...], ids], axis=0)
    new_v, new_i = _topk_cols(vals, aids, k, axis=0)
    topv_ref[...] = new_v
    topi_s_ref[...] = new_i
    topseg_ref[...] = new_i


def _seg_scan(q, key_bank, k):
    b, d = q.shape
    m = key_bank.shape[0]
    blk = _pick_block(m)
    grid = m // blk
    return pl.pallas_call(
        functools.partial(_scan_body, blk=blk, k=k),
        grid=(grid,),
        in_specs=[
            pl.BlockSpec((b, d), lambda i: (0, 0)),
            pl.BlockSpec((blk, d), lambda i: (i, 0)),
        ],
        out_specs=pl.BlockSpec((k, b), lambda i: (0, 0)),
        out_shape=jax.ShapeDtypeStruct((k, b), jnp.int32),
        scratch_shapes=[
            pltpu.VMEM((k, b), jnp.float32),
            pltpu.VMEM((k, b), jnp.int32),
        ],
        compiler_params=pltpu.CompilerParams(
            dimension_semantics=("arbitrary",)),
    )(q, key_bank)


def _rescore_body(q_ref, cand_ref, cid_ref, topi_ref, *, rows, nc):
    g = pl.program_id(0)
    qn = _qn_bf16(q_ref)
    c = cand_ref[...]
    inv = 1.0 / (jnp.sqrt(jnp.sum(c * c, axis=1, keepdims=True)) + 1e-6)
    cn = c * inv
    s = lax.dot_general(cn.astype(jnp.bfloat16), qn,
                        (((1,), (1,)), ((), ())),
                        preferred_element_type=jnp.float32)
    t = s.reshape(rows, nc, s.shape[1])
    r_loc = lax.broadcasted_iota(jnp.int32, t.shape, 0)
    col = lax.broadcasted_iota(jnp.int32, t.shape, 2)
    sc = jnp.max(jnp.where(col == g * rows + r_loc, t, NEG_INF),
                 axis=2)
    _, top_i = _topk_cols(sc, cid_ref[...], topi_ref.shape[1], axis=1)
    topi_ref[...] = top_i


def _rescore(q, cand, cand_ids, k):
    b, d = q.shape
    nc = cand_ids.shape[1]
    rows = 16
    grid = b // rows
    return pl.pallas_call(
        functools.partial(_rescore_body, rows=rows, nc=nc),
        grid=(grid,),
        in_specs=[
            pl.BlockSpec((b, d), lambda g: (0, 0)),
            pl.BlockSpec((rows * nc, d), lambda g: (g, 0)),
            pl.BlockSpec((rows, nc), lambda g: (g, 0)),
        ],
        out_specs=pl.BlockSpec((rows, k), lambda g: (g, 0)),
        out_shape=jax.ShapeDtypeStruct((b, k), jnp.int32),
        compiler_params=pltpu.CompilerParams(
            dimension_semantics=("arbitrary",)),
    )(q, cand, cand_ids)


def _sc_gather_rows(table, idx):
    n = idx.shape[0]
    d = table.shape[1]
    bpw = n // _SC_NW
    mesh = plsc.VectorSubcoreMesh(core_axis_name="c", subcore_axis_name="s")

    @functools.partial(
        pl.kernel,
        mesh=mesh,
        out_type=jax.ShapeDtypeStruct((n, d), jnp.float32),
        scratch_types=[
            pltpu.VMEM((bpw,), jnp.int32),
            pltpu.VMEM((bpw, d), jnp.float32),
            pltpu.SemaphoreType.DMA,
        ],
        compiler_params=pltpu.CompilerParams(use_tc_tiling_on_sc=False),
    )
    def k(table_hbm, idx_hbm, out_hbm, idx_v, rows_v, sem):
        wid = lax.axis_index("s") * _SC_NC + lax.axis_index("c")
        base = wid * bpw
        pltpu.sync_copy(idx_hbm.at[pl.ds(base, bpw)], idx_v)
        pltpu.async_copy(table_hbm.at[idx_v], rows_v, sem).wait()
        pltpu.sync_copy(rows_v, out_hbm.at[pl.ds(base, bpw)])

    return k(table, idx)


def _proj_body(v_ref, w_ref, o_ref):
    o_ref[...] = lax.dot_general(
        v_ref[...], w_ref[...], (((1,), (1,)), ((), ())),
        preferred_element_type=jnp.float32)


def _project(vals, w_proj):
    n = vals.shape[0]
    h = w_proj.shape[0]
    return pl.pallas_call(
        _proj_body,
        out_shape=jax.ShapeDtypeStruct((n, h), jnp.float32),
    )(vals, w_proj)


def kernel(q, key_bank, val_bank, W_proj):
    b, d = q.shape
    k = 8
    topseg = _seg_scan(q, key_bank, k)
    segs = topseg.T

    cand_idx = (segs[:, :, None] * SEG
                + jnp.arange(SEG, dtype=jnp.int32)[None, None, :])
    cand = _sc_gather_rows(key_bank, cand_idx.reshape(-1))
    cand_ids = cand_idx.reshape(b, k * SEG)

    topi = _rescore(q, cand, cand_ids, k)

    vals = _sc_gather_rows(val_bank, topi.reshape(b * k))
    dc = _project(vals, W_proj)
    return dc.reshape(b, k, W_proj.shape[0])

# --- scband reference (transcript-rebuilt; emitter-appended) ---
"""Pipeline reference for scband-dynamic-cheatsheet-memory-7275674600232 (READ-ONLY COPY).

The authoritative reference and input builder live on the scoring server;
editing this copy changes nothing except your own understanding.
"""

import jax, jax.numpy as jnp
import numpy as np

B = 128
EMBED_DIM = 64
CAPACITY = 1000000
HIDDEN_DIM = 1024
DC_LEN = 8


def setup_inputs(seed: int = 0) -> dict:
    key = jax.random.key(seed)
    k1, k2, k3, k4 = jax.random.split(key, 4)
    q = jax.random.normal(k1, (B, EMBED_DIM), dtype=jnp.float32)
    key_bank = jax.random.normal(k2, (CAPACITY, EMBED_DIM), dtype=jnp.float32)
    val_bank = jax.random.normal(k3, (CAPACITY, EMBED_DIM), dtype=jnp.float32)
    # nn.Linear(embed_dim, hidden_dim, bias=False) weight: (hidden_dim, embed_dim)
    W_proj = jax.random.normal(k4, (HIDDEN_DIM, EMBED_DIM), dtype=jnp.float32) * (1.0 / np.sqrt(EMBED_DIM))
    return {"q": q, "key_bank": key_bank, "val_bank": val_bank, "W_proj": W_proj}


def reference(q, key_bank, val_bank, W_proj):
    # _sim with similarity='cosine': qn @ Kn.T  -> (B, M)
    qn = q / (jnp.linalg.norm(q, axis=-1, keepdims=True) + 1e-6)
    Kn = key_bank / (jnp.linalg.norm(key_bank, axis=-1, keepdims=True) + 1e-6)
    scores = qn @ Kn.T
    # top-k retrieval: k = min(dc_len, size) = dc_len since bank is full
    topv, topi = jax.lax.top_k(scores, DC_LEN)
    # gather retrieved values: (B, dc_len, embed_dim)
    vals = jnp.take(val_bank, topi, axis=0)
    # min_relevance == 0.0 -> no masking; k == dc_len -> no padding
    # proj: Linear(embed_dim -> hidden_dim, bias=False)
    dc_memory = vals @ W_proj.T
    return dc_memory

if __name__ == "__main__":
    import jax
    _d = setup_inputs()
    print(jax.jit(kernel)(*tuple(_d.values())))

</pallas_src>

<mosaic_0001>
#map = affine_map<(d0, d1) -> (0, 0)>
#map1 = affine_map<(d0, d1) -> (0)>
module attributes {stable_mosaic.version = 14 : i64} {
  func.func @k(%arg0: i32, %arg1: i32, %arg2: memref<1000000x64xf32, #tpu.memory_space<hbm>>, %arg3: memref<32768xi32, #tpu.memory_space<hbm>>, %arg4: memref<32768x64xf32, #tpu.memory_space<hbm>>, %arg5: memref<1024xi32, #tpu.memory_space<vmem>>, %arg6: memref<1024x64xf32, #tpu.memory_space<vmem>>, %arg7: memref<!tpu.dma_semaphore, #tpu.memory_space<semaphore_mem>>) attributes {dimension_semantics = [#tpu.dimension_semantics<core_parallel>, #tpu.dimension_semantics<subcore_parallel>], iteration_bounds = array<i64: 2, 16>, scalar_prefetch = 0 : i64, scratch_operands = 3 : i64, tpu.core_type = #tpu.core_type<sc_vector_subcore>, window_params = [{transform_indices = #map}, {transform_indices = #map1}, {transform_indices = #map}]} {
    %mul3A = arith.constant 2 : i32
    %mul3A_0 = arith.muli %arg1, %mul3A : i32
    %add3A = arith.addi %mul3A_0, %arg0 : i32
    %mul3A_1 = arith.constant 1024 : i32
    %mul3A_2 = arith.muli %add3A, %mul3A_1 : i32
    "tpu.region"() ({
      %run_scoped3A = tpu.sem_alloc : memref<!tpu.dma_semaphore, #tpu.memory_space<semaphore_mem>>
      %dma_start3A_7 = tpu.memref_slice %arg3[%mul3A_2] : memref<32768xi32, #tpu.memory_space<hbm>> -> memref<1024xi32, #tpu.memory_space<hbm>>
      %dma_start3A_8 = tpu.memref_slice %arg3[%mul3A_2] : memref<32768xi32, #tpu.memory_space<hbm>> -> memref<1024xi32, #tpu.memory_space<hbm>>
      tpu.enqueue_dma source(%dma_start3A_8 : memref<1024xi32, #tpu.memory_space<hbm>>) target(%arg5 : memref<1024xi32, #tpu.memory_space<vmem>>) target_semaphore(%run_scoped3A : memref<!tpu.dma_semaphore, #tpu.memory_space<semaphore_mem>>)
      %dma_wait3A_9 = tpu.memref_slice %arg3[%mul3A_2] : memref<32768xi32, #tpu.memory_space<hbm>> -> memref<1024xi32, #tpu.memory_space<hbm>>
      %dma_wait3A_10 = tpu.memref_slice %arg3[%mul3A_2] : memref<32768xi32, #tpu.memory_space<hbm>> -> memref<1024xi32, #tpu.memory_space<hbm>>
      tpu.wait_dma2 semaphore(%run_scoped3A : memref<!tpu.dma_semaphore, #tpu.memory_space<semaphore_mem>>) src(%dma_wait3A_10 : memref<1024xi32, #tpu.memory_space<hbm>>) dst(%arg5 : memref<1024xi32, #tpu.memory_space<vmem>>)
      tpu.yield
    }) : () -> ()
    %dma_start3A = arith.constant 0 : i32
    %dma_start3A_3 = arith.constant 0 : i32
    %dma_start3A_4 = tpu.memref_slice %arg2[%dma_start3A, %dma_start3A_3] : memref<1000000x64xf32, #tpu.memory_space<hbm>> -> memref<1000000x64xf32, #tpu.memory_space<hbm>>
    tpu.enqueue_indirect_dma source(%dma_start3A_4 : memref<1000000x64xf32, #tpu.memory_space<hbm>>) target(%arg6 : memref<1024x64xf32, #tpu.memory_space<vmem>>) offsets(%arg5 : memref<1024xi32, #tpu.memory_space<vmem>>) semaphore(%arg7 : memref<!tpu.dma_semaphore, #tpu.memory_space<semaphore_mem>>)
    %dma_wait3A = arith.constant 0 : i32
    %dma_wait3A_5 = arith.constant 0 : i32
    %dma_wait3A_6 = tpu.memref_slice %arg2[%dma_wait3A, %dma_wait3A_5] : memref<1000000x64xf32, #tpu.memory_space<hbm>> -> memref<1000000x64xf32, #tpu.memory_space<hbm>>
    tpu.wait_indirect_dma semaphore(%arg7 : memref<!tpu.dma_semaphore, #tpu.memory_space<semaphore_mem>>) src(%dma_wait3A_6 : memref<1000000x64xf32, #tpu.memory_space<hbm>>) dst(%arg6 : memref<1024x64xf32, #tpu.memory_space<vmem>>)
    "tpu.region"() ({
      %run_scoped3A = tpu.sem_alloc : memref<!tpu.dma_semaphore, #tpu.memory_space<semaphore_mem>>
      %dma_start3A_7 = arith.constant 0 : i32
      %dma_start3A_8 = tpu.memref_slice %arg4[%mul3A_2, %dma_start3A_7] : memref<32768x64xf32, #tpu.memory_space<hbm>> -> memref<1024x64xf32, #tpu.memory_space<hbm>>
      %dma_start3A_9 = arith.constant 0 : i32
      %dma_start3A_10 = tpu.memref_slice %arg4[%mul3A_2, %dma_start3A_9] : memref<32768x64xf32, #tpu.memory_space<hbm>> -> memref<1024x64xf32, #tpu.memory_space<hbm>>
      tpu.enqueue_dma source(%arg6 : memref<1024x64xf32, #tpu.memory_space<vmem>>) target(%dma_start3A_10 : memref<1024x64xf32, #tpu.memory_space<hbm>>) target_semaphore(%run_scoped3A : memref<!tpu.dma_semaphore, #tpu.memory_space<semaphore_mem>>)
      %dma_wait3A_11 = arith.constant 0 : i32
      %dma_wait3A_12 = tpu.memref_slice %arg4[%mul3A_2, %dma_wait3A_11] : memref<32768x64xf32, #tpu.memory_space<hbm>> -> memref<1024x64xf32, #tpu.memory_space<hbm>>
      %dma_wait3A_13 = arith.constant 0 : i32
      %dma_wait3A_14 = tpu.memref_slice %arg4[%mul3A_2, %dma_wait3A_13] : memref<32768x64xf32, #tpu.memory_space<hbm>> -> memref<1024x64xf32, #tpu.memory_space<hbm>>
      tpu.wait_dma2 semaphore(%run_scoped3A : memref<!tpu.dma_semaphore, #tpu.memory_space<semaphore_mem>>) src(%arg6 : memref<1024x64xf32, #tpu.memory_space<vmem>>) dst(%dma_wait3A_14 : memref<1024x64xf32, #tpu.memory_space<hbm>>)
      tpu.yield
    }) : () -> ()
    return
  }
}

#map = affine_map<(d0, d1) -> (0, 0)>
#map1 = affine_map<(d0, d1) -> (0)>
module attributes {stable_mosaic.version = 14 : i64} {
  func.func @k(%arg0: i32, %arg1: i32, %arg2: memref<1000000x64xf32, #tpu.memory_space<hbm>>, %arg3: memref<1024xi32, #tpu.memory_space<hbm>>, %arg4: memref<1024x64xf32, #tpu.memory_space<hbm>>, %arg5: memref<32xi32, #tpu.memory_space<vmem>>, %arg6: memref<32x64xf32, #tpu.memory_space<vmem>>, %arg7: memref<!tpu.dma_semaphore, #tpu.memory_space<semaphore_mem>>) attributes {dimension_semantics = [#tpu.dimension_semantics<core_parallel>, #tpu.dimension_semantics<subcore_parallel>], iteration_bounds = array<i64: 2, 16>, scalar_prefetch = 0 : i64, scratch_operands = 3 : i64, tpu.core_type = #tpu.core_type<sc_vector_subcore>, window_params = [{transform_indices = #map}, {transform_indices = #map1}, {transform_indices = #map}]} {
    %mul3A = arith.constant 2 : i32
    %mul3A_0 = arith.muli %arg1, %mul3A : i32
    %add3A = arith.addi %mul3A_0, %arg0 : i32
    %mul3A_1 = arith.constant 32 : i32
    %mul3A_2 = arith.muli %add3A, %mul3A_1 : i32
    "tpu.region"() ({
      %run_scoped3A = tpu.sem_alloc : memref<!tpu.dma_semaphore, #tpu.memory_space<semaphore_mem>>
      %dma_start3A_7 = tpu.memref_slice %arg3[%mul3A_2] : memref<1024xi32, #tpu.memory_space<hbm>> -> memref<32xi32, #tpu.memory_space<hbm>>
      %dma_start3A_8 = tpu.memref_slice %arg3[%mul3A_2] : memref<1024xi32, #tpu.memory_space<hbm>> -> memref<32xi32, #tpu.memory_space<hbm>>
      tpu.enqueue_dma source(%dma_start3A_8 : memref<32xi32, #tpu.memory_space<hbm>>) target(%arg5 : memref<32xi32, #tpu.memory_space<vmem>>) target_semaphore(%run_scoped3A : memref<!tpu.dma_semaphore, #tpu.memory_space<semaphore_mem>>)
      %dma_wait3A_9 = tpu.memref_slice %arg3[%mul3A_2] : memref<1024xi32, #tpu.memory_space<hbm>> -> memref<32xi32, #tpu.memory_space<hbm>>
      %dma_wait3A_10 = tpu.memref_slice %arg3[%mul3A_2] : memref<1024xi32, #tpu.memory_space<hbm>> -> memref<32xi32, #tpu.memory_space<hbm>>
      tpu.wait_dma2 semaphore(%run_scoped3A : memref<!tpu.dma_semaphore, #tpu.memory_space<semaphore_mem>>) src(%dma_wait3A_10 : memref<32xi32, #tpu.memory_space<hbm>>) dst(%arg5 : memref<32xi32, #tpu.memory_space<vmem>>)
      tpu.yield
    }) : () -> ()
    %dma_start3A = arith.constant 0 : i32
    %dma_start3A_3 = arith.constant 0 : i32
    %dma_start3A_4 = tpu.memref_slice %arg2[%dma_start3A, %dma_start3A_3] : memref<1000000x64xf32, #tpu.memory_space<hbm>> -> memref<1000000x64xf32, #tpu.memory_space<hbm>>
    tpu.enqueue_indirect_dma source(%dma_start3A_4 : memref<1000000x64xf32, #tpu.memory_space<hbm>>) target(%arg6 : memref<32x64xf32, #tpu.memory_space<vmem>>) offsets(%arg5 : memref<32xi32, #tpu.memory_space<vmem>>) semaphore(%arg7 : memref<!tpu.dma_semaphore, #tpu.memory_space<semaphore_mem>>)
    %dma_wait3A = arith.constant 0 : i32
    %dma_wait3A_5 = arith.constant 0 : i32
    %dma_wait3A_6 = tpu.memref_slice %arg2[%dma_wait3A, %dma_wait3A_5] : memref<1000000x64xf32, #tpu.memory_space<hbm>> -> memref<1000000x64xf32, #tpu.memory_space<hbm>>
    tpu.wait_indirect_dma semaphore(%arg7 : memref<!tpu.dma_semaphore, #tpu.memory_space<semaphore_mem>>) src(%dma_wait3A_6 : memref<1000000x64xf32, #tpu.memory_space<hbm>>) dst(%arg6 : memref<32x64xf32, #tpu.memory_space<vmem>>)
    "tpu.region"() ({
      %run_scoped3A = tpu.sem_alloc : memref<!tpu.dma_semaphore, #tpu.memory_space<semaphore_mem>>
      %dma_start3A_7 = arith.constant 0 : i32
      %dma_start3A_8 = tpu.memref_slice %arg4[%mul3A_2, %dma_start3A_7] : memref<1024x64xf32, #tpu.memory_space<hbm>> -> memref<32x64xf32, #tpu.memory_space<hbm>>
      %dma_start3A_9 = arith.constant 0 : i32
      %dma_start3A_10 = tpu.memref_slice %arg4[%mul3A_2, %dma_start3A_9] : memref<1024x64xf32, #tpu.memory_space<hbm>> -> memref<32x64xf32, #tpu.memory_space<hbm>>
      tpu.enqueue_dma source(%arg6 : memref<32x64xf32, #tpu.memory_space<vmem>>) target(%dma_start3A_10 : memref<32x64xf32, #tpu.memory_space<hbm>>) target_semaphore(%run_scoped3A : memref<!tpu.dma_semaphore, #tpu.memory_space<semaphore_mem>>)
      %dma_wait3A_11 = arith.constant 0 : i32
      %dma_wait3A_12 = tpu.memref_slice %arg4[%mul3A_2, %dma_wait3A_11] : memref<1024x64xf32, #tpu.memory_space<hbm>> -> memref<32x64xf32, #tpu.memory_space<hbm>>
      %dma_wait3A_13 = arith.constant 0 : i32
      %dma_wait3A_14 = tpu.memref_slice %arg4[%mul3A_2, %dma_wait3A_13] : memref<1024x64xf32, #tpu.memory_space<hbm>> -> memref<32x64xf32, #tpu.memory_space<hbm>>
      tpu.wait_dma2 semaphore(%run_scoped3A : memref<!tpu.dma_semaphore, #tpu.memory_space<semaphore_mem>>) src(%arg6 : memref<32x64xf32, #tpu.memory_space<vmem>>) dst(%dma_wait3A_14 : memref<32x64xf32, #tpu.memory_space<hbm>>)
      tpu.yield
    }) : () -> ()
    return
  }
}

module attributes {stable_mosaic.version = 14 : i64} {
  func.func @_scan_body(%arg0: i32, %arg1: memref<128x64xf32, #tpu.memory_space<vmem>>, %arg2: memref<20000x64xf32, #tpu.memory_space<vmem>>, %arg3: memref<8x128xi32, #tpu.memory_space<vmem>>, %arg4: memref<8x128xf32, #tpu.memory_space<vmem>>, %arg5: memref<8x128xi32, #tpu.memory_space<vmem>>) attributes {dimension_semantics = [#tpu.dimension_semantics<arbitrary>], iteration_bounds = array<i64: 50>, scalar_prefetch = 0 : i64, scratch_operands = 2 : i64, tpu.core_type = #tpu.core_type<tc>, window_params = [{pipeline_mode = #tpu.pipeline_mode<synchronous>, transform_indices = @transform_0, window_bounds = array<i64: 128, 64>}, {transform_indices = @transform_1, window_bounds = array<i64: 20000, 64>}, {pipeline_mode = #tpu.pipeline_mode<synchronous>, transform_indices = @transform_2, window_bounds = array<i64: 8, 128>}]} {
    %eq3A = arith.constant 0 : i32
    %eq3A_0 = arith.cmpi eq, %arg0, %eq3A : i32
    %convert_element_type3A = arith.extui %eq3A_0 : i1 to i32
    %cond3A = arith.constant 0 : i32
    %cond3A_1 = arith.cmpi ne, %convert_element_type3A, %cond3A : i32
    scf.if %cond3A_1 {
      %broadcast_in_dim3A_175 = arith.constant -3.000000e+38 : f32
      %broadcast_in_dim3A_176 = vector.broadcast %broadcast_in_dim3A_175 : f32 to vector<8x128xf32>
      %swap3A_177 = arith.constant 0 : index
      %swap3A_178 = arith.constant 0 : index
      %swap3A_179 = vector.load %arg4[%swap3A_177, %swap3A_178] : memref<8x128xf32, #tpu.memory_space<vmem>>, vector<8x128xf32>
      tpu.vector_store %arg4[%swap3A_177, %swap3A_178], %broadcast_in_dim3A_176 {strides = array<i32>} : memref<8x128xf32, #tpu.memory_space<vmem>>, vector<8x128xf32>,
      %broadcast_in_dim3A_180 = arith.constant 0 : i32
      %broadcast_in_dim3A_181 = vector.broadcast %broadcast_in_dim3A_180 : i32 to vector<8x128xi32>
      %swap3A_182 = arith.constant 0 : index
      %swap3A_183 = arith.constant 0 : index
      %swap3A_184 = vector.load %arg5[%swap3A_182, %swap3A_183] : memref<8x128xi32, #tpu.memory_space<vmem>>, vector<8x128xi32>
      tpu.vector_store %arg5[%swap3A_182, %swap3A_183], %broadcast_in_dim3A_181 {strides = array<i32>} : memref<8x128xi32, #tpu.memory_space<vmem>>, vector<8x128xi32>,
    } else {
    }
    %get3A = arith.constant 0 : index
    %get3A_2 = arith.constant 0 : index
    %get3A_3 = vector.load %arg1[%get3A, %get3A_2] : memref<128x64xf32, #tpu.memory_space<vmem>>, vector<128x64xf32>
    %mul3A = arith.mulf %get3A_3, %get3A_3 : vector<128x64xf32>
    %reduce_sum3A = arith.constant dense<0.000000e+00> : vector<128xf32>
    %reduce_sum3A_4 = vector.multi_reduction <add>, %mul3A, %reduce_sum3A [1] : vector<128x64xf32> to vector<128xf32>
    %broadcast_in_dim3A = vector.shape_cast %reduce_sum3A_4 : vector<128xf32> to vector<128x1xf32>
    %sqrt3A = math.sqrt %broadcast_in_dim3A : vector<128x1xf32>
    %add3A = arith.constant 9.99999997E-7 : f32
    %add3A_5 = vector.broadcast %add3A : f32 to vector<128x1xf32>
    %add3A_6 = arith.addf %sqrt3A, %add3A_5 : vector<128x1xf32>
    %div3A = vector.broadcast %add3A_6 : vector<128x1xf32> to vector<128x64xf32>
    %div3A_7 = arith.divf %get3A_3, %div3A : vector<128x64xf32>
    %convert_element_type3A_8 = arith.truncf %div3A_7 : vector<128x64xf32> to vector<128x64xbf16>
    %get3A_9 = arith.constant 0 : index
    %get3A_10 = arith.constant 0 : index
    %get3A_11 = vector.load %arg2[%get3A_9, %get3A_10] : memref<20000x64xf32, #tpu.memory_space<vmem>>, vector<20000x64xf32>
    %mul3A_12 = arith.mulf %get3A_11, %get3A_11 : vector<20000x64xf32>
    %reduce_sum3A_13 = arith.constant dense<0.000000e+00> : vector<20000xf32>
    %reduce_sum3A_14 = vector.multi_reduction <add>, %mul3A_12, %reduce_sum3A_13 [1] : vector<20000x64xf32> to vector<20000xf32>
    %broadcast_in_dim3A_15 = vector.shape_cast %reduce_sum3A_14 : vector<20000xf32> to vector<20000x1xf32>
    %sqrt3A_16 = math.sqrt %broadcast_in_dim3A_15 : vector<20000x1xf32>
    %add3A_17 = arith.constant 9.99999997E-7 : f32
    %add3A_18 = vector.broadcast %add3A_17 : f32 to vector<20000x1xf32>
    %add3A_19 = arith.addf %sqrt3A_16, %add3A_18 : vector<20000x1xf32>
    %div3A_20 = arith.constant 1.000000e+00 : f32
    %div3A_21 = vector.broadcast %div3A_20 : f32 to vector<20000x1xf32>
    %div3A_22 = arith.divf %div3A_21, %add3A_19 : vector<20000x1xf32>
    %mul3A_23 = vector.broadcast %div3A_22 : vector<20000x1xf32> to vector<20000x64xf32>
    %mul3A_24 = arith.mulf %get3A_11, %mul3A_23 : vector<20000x64xf32>
    %convert_element_type3A_25 = arith.truncf %mul3A_24 : vector<20000x64xf32> to vector<20000x64xbf16>
    %dot_general3A = arith.constant dense<0.000000e+00> : vector<20000x128xf32>
    %dot_general3A_26 = tpu.matmul %convert_element_type3A_25, %convert_element_type3A_8, %dot_general3A {dimension_numbers = #tpu.dot_dimension_numbers<[1], [1], [0], [0], [0, 0, 1, 0], [], []>, transpose_lhs_hint = false} : vector<20000x64xbf16>, vector<128x64xbf16>, vector<20000x128xf32> -> vector<20000x128xf32>
    %reshape3A = vector.shape_cast %dot_general3A_26 : vector<20000x128xf32> to vector<625x32x128xf32>
    %reduce_max3A = arith.constant dense<0xFF800000> : vector<625x128xf32>
    %reduce_max3A_27 = vector.multi_reduction <maximumf>, %reshape3A, %reduce_max3A [1] : vector<625x32x128xf32> to vector<625x128xf32>
    %mul3A_28 = arith.constant 625 : i32
    %mul3A_29 = arith.muli %arg0, %mul3A_28 : i32
    %iota3A = tpu.iota {dimensions = array<i32: 0>} : vector<625x128xi32>
    %add3A_30 = vector.broadcast %mul3A_29 : i32 to vector<625x128xi32>
    %add3A_31 = arith.addi %add3A_30, %iota3A : vector<625x128xi32>
    %get3A_32 = arith.constant 0 : index
    %get3A_33 = arith.constant 0 : index
    %get3A_34 = vector.load %arg4[%get3A_32, %get3A_33] : memref<8x128xf32, #tpu.memory_space<vmem>>, vector<8x128xf32>
    %concatenate3A = tpu.concatenate %get3A_34, %reduce_max3A_27 in 0 : vector<8x128xf32>, vector<625x128xf32> -> vector<633x128xf32>
    %get3A_35 = arith.constant 0 : index
    %get3A_36 = arith.constant 0 : index
    %get3A_37 = vector.load %arg5[%get3A_35, %get3A_36] : memref<8x128xi32, #tpu.memory_space<vmem>>, vector<8x128xi32>
    %concatenate3A_38 = tpu.concatenate %get3A_37, %add3A_31 in 0 : vector<8x128xi32>, vector<625x128xi32> -> vector<633x128xi32>
    %reduce_max3A_39 = arith.constant dense<0xFF800000> : vector<128xf32>
    %reduce_max3A_40 = vector.multi_reduction <maximumf>, %concatenate3A, %reduce_max3A_39 [0] : vector<633x128xf32> to vector<128xf32>
    %broadcast_in_dim3A_41 = vector.shape_cast %reduce_max3A_40 : vector<128xf32> to vector<1x128xf32>
    %eq3A_42 = vector.broadcast %broadcast_in_dim3A_41 : vector<1x128xf32> to vector<633x128xf32>
    %eq3A_43 = arith.cmpf oeq, %concatenate3A, %eq3A_42 : vector<633x128xf32>
    %jit3A = arith.constant 2147483647 : i32
    %broadcast_in_dim3A_44 = vector.broadcast %jit3A : i32 to vector<633x128xi32>
    %select_n3A = arith.select %eq3A_43, %concatenate3A_38, %broadcast_in_dim3A_44 : vector<633x128xi1>, vector<633x128xi32>
    %reduce_min3A = arith.constant dense<2147483647> : vector<128xi32>
    %reduce_min3A_45 = vector.multi_reduction <minsi>, %select_n3A, %reduce_min3A [0] : vector<633x128xi32> to vector<128xi32>
    %broadcast_in_dim3A_46 = vector.shape_cast %reduce_min3A_45 : vector<128xi32> to vector<1x128xi32>
    %eq3A_47 = vector.broadcast %broadcast_in_dim3A_46 : vector<1x128xi32> to vector<633x128xi32>
    %eq3A_48 = arith.cmpi eq, %concatenate3A_38, %eq3A_47 : vector<633x128xi32>
    %and3A = arith.andi %eq3A_43, %eq3A_48 : vector<633x128xi1>
    %jit3A_49 = arith.constant -3.000000e+38 : f32
    %broadcast_in_dim3A_50 = vector.broadcast %jit3A_49 : f32 to vector<633x128xf32>
    %select_n3A_51 = arith.select %and3A, %broadcast_in_dim3A_50, %concatenate3A : vector<633x128xi1>, vector<633x128xf32>
    %reduce_max3A_52 = arith.constant dense<0xFF800000> : vector<128xf32>
    %reduce_max3A_53 = vector.multi_reduction <maximumf>, %select_n3A_51, %reduce_max3A_52 [0] : vector<633x128xf32> to vector<128xf32>
    %broadcast_in_dim3A_54 = vector.shape_cast %reduce_max3A_53 : vector<128xf32> to vector<1x128xf32>
    %eq3A_55 = vector.broadcast %broadcast_in_dim3A_54 : vector<1x128xf32> to vector<633x128xf32>
    %eq3A_56 = arith.cmpf oeq, %select_n3A_51, %eq3A_55 : vector<633x128xf32>
    %jit3A_57 = arith.constant 2147483647 : i32
    %broadcast_in_dim3A_58 = vector.broadcast %jit3A_57 : i32 to vector<633x128xi32>
    %select_n3A_59 = arith.select %eq3A_56, %concatenate3A_38, %broadcast_in_dim3A_58 : vector<633x128xi1>, vector<633x128xi32>
    %reduce_min3A_60 = arith.constant dense<2147483647> : vector<128xi32>
    %reduce_min3A_61 = vector.multi_reduction <minsi>, %select_n3A_59, %reduce_min3A_60 [0] : vector<633x128xi32> to vector<128xi32>
    %broadcast_in_dim3A_62 = vector.shape_cast %reduce_min3A_61 : vector<128xi32> to vector<1x128xi32>
    %eq3A_63 = vector.broadcast %broadcast_in_dim3A_62 : vector<1x128xi32> to vector<633x128xi32>
    %eq3A_64 = arith.cmpi eq, %concatenate3A_38, %eq3A_63 : vector<633x128xi32>
    %and3A_65 = arith.andi %eq3A_56, %eq3A_64 : vector<633x128xi1>
    %jit3A_66 = arith.constant -3.000000e+38 : f32
    %broadcast_in_dim3A_67 = vector.broadcast %jit3A_66 : f32 to vector<633x128xf32>
    %select_n3A_68 = arith.select %and3A_65, %broadcast_in_dim3A_67, %select_n3A_51 : vector<633x128xi1>, vector<633x128xf32>
    %reduce_max3A_69 = arith.constant dense<0xFF800000> : vector<128xf32>
    %reduce_max3A_70 = vector.multi_reduction <maximumf>, %select_n3A_68, %reduce_max3A_69 [0] : vector<633x128xf32> to vector<128xf32>
    %broadcast_in_dim3A_71 = vector.shape_cast %reduce_max3A_70 : vector<128xf32> to vector<1x128xf32>
    %eq3A_72 = vector.broadcast %broadcast_in_dim3A_71 : vector<1x128xf32> to vector<633x128xf32>
    %eq3A_73 = arith.cmpf oeq, %select_n3A_68, %eq3A_72 : vector<633x128xf32>
    %jit3A_74 = arith.constant 2147483647 : i32
    %broadcast_in_dim3A_75 = vector.broadcast %jit3A_74 : i32 to vector<633x128xi32>
    %select_n3A_76 = arith.select %eq3A_73, %concatenate3A_38, %broadcast_in_dim3A_75 : vector<633x128xi1>, vector<633x128xi32>
    %reduce_min3A_77 = arith.constant dense<2147483647> : vector<128xi32>
    %reduce_min3A_78 = vector.multi_reduction <minsi>, %select_n3A_76, %reduce_min3A_77 [0] : vector<633x128xi32> to vector<128xi32>
    %broadcast_in_dim3A_79 = vector.shape_cast %reduce_min3A_78 : vector<128xi32> to vector<1x128xi32>
    %eq3A_80 = vector.broadcast %broadcast_in_dim3A_79 : vector<1x128xi32> to vector<633x128xi32>
    %eq3A_81 = arith.cmpi eq, %concatenate3A_38, %eq3A_80 : vector<633x128xi32>
    %and3A_82 = arith.andi %eq3A_73, %eq3A_81 : vector<633x128xi1>
    %jit3A_83 = arith.constant -3.000000e+38 : f32
    %broadcast_in_dim3A_84 = vector.broadcast %jit3A_83 : f32 to vector<633x128xf32>
    %select_n3A_85 = arith.select %and3A_82, %broadcast_in_dim3A_84, %select_n3A_68 : vector<633x128xi1>, vector<633x128xf32>
    %reduce_max3A_86 = arith.constant dense<0xFF800000> : vector<128xf32>
    %reduce_max3A_87 = vector.multi_reduction <maximumf>, %select_n3A_85, %reduce_max3A_86 [0] : vector<633x128xf32> to vector<128xf32>
    %broadcast_in_dim3A_88 = vector.shape_cast %reduce_max3A_87 : vector<128xf32> to vector<1x128xf32>
    %eq3A_89 = vector.broadcast %broadcast_in_dim3A_88 : vector<1x128xf32> to vector<633x128xf32>
    %eq3A_90 = arith.cmpf oeq, %select_n3A_85, %eq3A_89 : vector<633x128xf32>
    %jit3A_91 = arith.constant 2147483647 : i32
    %broadcast_in_dim3A_92 = vector.broadcast %jit3A_91 : i32 to vector<633x128xi32>
    %select_n3A_93 = arith.select %eq3A_90, %concatenate3A_38, %broadcast_in_dim3A_92 : vector<633x128xi1>, vector<633x128xi32>
    %reduce_min3A_94 = arith.constant dense<2147483647> : vector<128xi32>
    %reduce_min3A_95 = vector.multi_reduction <minsi>, %select_n3A_93, %reduce_min3A_94 [0] : vector<633x128xi32> to vector<128xi32>
    %broadcast_in_dim3A_96 = vector.shape_cast %reduce_min3A_95 : vector<128xi32> to vector<1x128xi32>
    %eq3A_97 = vector.broadcast %broadcast_in_dim3A_96 : vector<1x128xi32> to vector<633x128xi32>
    %eq3A_98 = arith.cmpi eq, %concatenate3A_38, %eq3A_97 : vector<633x128xi32>
    %and3A_99 = arith.andi %eq3A_90, %eq3A_98 : vector<633x128xi1>
    %jit3A_100 = arith.constant -3.000000e+38 : f32
    %broadcast_in_dim3A_101 = vector.broadcast %jit3A_100 : f32 to vector<633x128xf32>
    %select_n3A_102 = arith.select %and3A_99, %broadcast_in_dim3A_101, %select_n3A_85 : vector<633x128xi1>, vector<633x128xf32>
    %reduce_max3A_103 = arith.constant dense<0xFF800000> : vector<128xf32>
    %reduce_max3A_104 = vector.multi_reduction <maximumf>, %select_n3A_102, %reduce_max3A_103 [0] : vector<633x128xf32> to vector<128xf32>
    %broadcast_in_dim3A_105 = vector.shape_cast %reduce_max3A_104 : vector<128xf32> to vector<1x128xf32>
    %eq3A_106 = vector.broadcast %broadcast_in_dim3A_105 : vector<1x128xf32> to vector<633x128xf32>
    %eq3A_107 = arith.cmpf oeq, %select_n3A_102, %eq3A_106 : vector<633x128xf32>
    %jit3A_108 = arith.constant 2147483647 : i32
    %broadcast_in_dim3A_109 = vector.broadcast %jit3A_108 : i32 to vector<633x128xi32>
    %select_n3A_110 = arith.select %eq3A_107, %concatenate3A_38, %broadcast_in_dim3A_109 : vector<633x128xi1>, vector<633x128xi32>
    %reduce_min3A_111 = arith.constant dense<2147483647> : vector<128xi32>
    %reduce_min3A_112 = vector.multi_reduction <minsi>, %select_n3A_110, %reduce_min3A_111 [0] : vector<633x128xi32> to vector<128xi32>
    %broadcast_in_dim3A_113 = vector.shape_cast %reduce_min3A_112 : vector<128xi32> to vector<1x128xi32>
    %eq3A_114 = vector.broadcast %broadcast_in_dim3A_113 : vector<1x128xi32> to vector<633x128xi32>
    %eq3A_115 = arith.cmpi eq, %concatenate3A_38, %eq3A_114 : vector<633x128xi32>
    %and3A_116 = arith.andi %eq3A_107, %eq3A_115 : vector<633x128xi1>
    %jit3A_117 = arith.constant -3.000000e+38 : f32
    %broadcast_in_dim3A_118 = vector.broadcast %jit3A_117 : f32 to vector<633x128xf32>
    %select_n3A_119 = arith.select %and3A_116, %broadcast_in_dim3A_118, %select_n3A_102 : vector<633x128xi1>, vector<633x128xf32>
    %reduce_max3A_120 = arith.constant dense<0xFF800000> : vector<128xf32>
    %reduce_max3A_121 = vector.multi_reduction <maximumf>, %select_n3A_119, %reduce_max3A_120 [0] : vector<633x128xf32> to vector<128xf32>
    %broadcast_in_dim3A_122 = vector.shape_cast %reduce_max3A_121 : vector<128xf32> to vector<1x128xf32>
    %eq3A_123 = vector.broadcast %broadcast_in_dim3A_122 : vector<1x128xf32> to vector<633x128xf32>
    %eq3A_124 = arith.cmpf oeq, %select_n3A_119, %eq3A_123 : vector<633x128xf32>
    %jit3A_125 = arith.constant 2147483647 : i32
    %broadcast_in_dim3A_126 = vector.broadcast %jit3A_125 : i32 to vector<633x128xi32>
    %select_n3A_127 = arith.select %eq3A_124, %concatenate3A_38, %broadcast_in_dim3A_126 : vector<633x128xi1>, vector<633x128xi32>
    %reduce_min3A_128 = arith.constant dense<2147483647> : vector<128xi32>
    %reduce_min3A_129 = vector.multi_reduction <minsi>, %select_n3A_127, %reduce_min3A_128 [0] : vector<633x128xi32> to vector<128xi32>
    %broadcast_in_dim3A_130 = vector.shape_cast %reduce_min3A_129 : vector<128xi32> to vector<1x128xi32>
    %eq3A_131 = vector.broadcast %broadcast_in_dim3A_130 : vector<1x128xi32> to vector<633x128xi32>
    %eq3A_132 = arith.cmpi eq, %concatenate3A_38, %eq3A_131 : vector<633x128xi32>
    %and3A_133 = arith.andi %eq3A_124, %eq3A_132 : vector<633x128xi1>
    %jit3A_134 = arith.constant -3.000000e+38 : f32
    %broadcast_in_dim3A_135 = vector.broadcast %jit3A_134 : f32 to vector<633x128xf32>
    %select_n3A_136 = arith.select %and3A_133, %broadcast_in_dim3A_135, %select_n3A_119 : vector<633x128xi1>, vector<633x128xf32>
    %reduce_max3A_137 = arith.constant dense<0xFF800000> : vector<128xf32>
    %reduce_max3A_138 = vector.multi_reduction <maximumf>, %select_n3A_136, %reduce_max3A_137 [0] : vector<633x128xf32> to vector<128xf32>
    %broadcast_in_dim3A_139 = vector.shape_cast %reduce_max3A_138 : vector<128xf32> to vector<1x128xf32>
    %eq3A_140 = vector.broadcast %broadcast_in_dim3A_139 : vector<1x128xf32> to vector<633x128xf32>
    %eq3A_141 = arith.cmpf oeq, %select_n3A_136, %eq3A_140 : vector<633x128xf32>
    %jit3A_142 = arith.constant 2147483647 : i32
    %broadcast_in_dim3A_143 = vector.broadcast %jit3A_142 : i32 to vector<633x128xi32>
    %select_n3A_144 = arith.select %eq3A_141, %concatenate3A_38, %broadcast_in_dim3A_143 : vector<633x128xi1>, vector<633x128xi32>
    %reduce_min3A_145 = arith.constant dense<2147483647> : vector<128xi32>
    %reduce_min3A_146 = vector.multi_reduction <minsi>, %select_n3A_144, %reduce_min3A_145 [0] : vector<633x128xi32> to vector<128xi32>
    %broadcast_in_dim3A_147 = vector.shape_cast %reduce_min3A_146 : vector<128xi32> to vector<1x128xi32>
    %eq3A_148 = vector.broadcast %broadcast_in_dim3A_147 : vector<1x128xi32> to vector<633x128xi32>
    %eq3A_149 = arith.cmpi eq, %concatenate3A_38, %eq3A_148 : vector<633x128xi32>
    %and3A_150 = arith.andi %eq3A_141, %eq3A_149 : vector<633x128xi1>
    %jit3A_151 = arith.constant -3.000000e+38 : f32
    %broadcast_in_dim3A_152 = vector.broadcast %jit3A_151 : f32 to vector<633x128xf32>
    %select_n3A_153 = arith.select %and3A_150, %broadcast_in_dim3A_152, %select_n3A_136 : vector<633x128xi1>, vector<633x128xf32>
    %reduce_max3A_154 = arith.constant dense<0xFF800000> : vector<128xf32>
    %reduce_max3A_155 = vector.multi_reduction <maximumf>, %select_n3A_153, %reduce_max3A_154 [0] : vector<633x128xf32> to vector<128xf32>
    %broadcast_in_dim3A_156 = vector.shape_cast %reduce_max3A_155 : vector<128xf32> to vector<1x128xf32>
    %eq3A_157 = vector.broadcast %broadcast_in_dim3A_156 : vector<1x128xf32> to vector<633x128xf32>
    %eq3A_158 = arith.cmpf oeq, %select_n3A_153, %eq3A_157 : vector<633x128xf32>
    %jit3A_159 = arith.constant 2147483647 : i32
    %broadcast_in_dim3A_160 = vector.broadcast %jit3A_159 : i32 to vector<633x128xi32>
    %select_n3A_161 = arith.select %eq3A_158, %concatenate3A_38, %broadcast_in_dim3A_160 : vector<633x128xi1>, vector<633x128xi32>
    %reduce_min3A_162 = arith.constant dense<2147483647> : vector<128xi32>
    %reduce_min3A_163 = vector.multi_reduction <minsi>, %select_n3A_161, %reduce_min3A_162 [0] : vector<633x128xi32> to vector<128xi32>
    %broadcast_in_dim3A_164 = vector.shape_cast %reduce_min3A_163 : vector<128xi32> to vector<1x128xi32>
    %concatenate3A_165 = tpu.concatenate %broadcast_in_dim3A_41, %broadcast_in_dim3A_54, %broadcast_in_dim3A_71, %broadcast_in_dim3A_88, %broadcast_in_dim3A_105, %broadcast_in_dim3A_122, %broadcast_in_dim3A_139, %broadcast_in_dim3A_156 in 0 : vector<1x128xf32>, vector<1x128xf32>, vector<1x128xf32>, vector<1x128xf32>, vector<1x128xf32>, vector<1x128xf32>, vector<1x128xf32>, vector<1x128xf32> -> vector<8x128xf32>
    %concatenate3A_166 = tpu.concatenate %broadcast_in_dim3A_46, %broadcast_in_dim3A_62, %broadcast_in_dim3A_79, %broadcast_in_dim3A_96, %broadcast_in_dim3A_113, %broadcast_in_dim3A_130, %broadcast_in_dim3A_147, %broadcast_in_dim3A_164 in 0 : vector<1x128xi32>, vector<1x128xi32>, vector<1x128xi32>, vector<1x128xi32>, vector<1x128xi32>, vector<1x128xi32>, vector<1x128xi32>, vector<1x128xi32> -> vector<8x128xi32>
    %swap3A = arith.constant 0 : index
    %swap3A_167 = arith.constant 0 : index
    %swap3A_168 = vector.load %arg4[%swap3A, %swap3A_167] : memref<8x128xf32, #tpu.memory_space<vmem>>, vector<8x128xf32>
    tpu.vector_store %arg4[%swap3A, %swap3A_167], %concatenate3A_165 {strides = array<i32>} : memref<8x128xf32, #tpu.memory_space<vmem>>, vector<8x128xf32>,
    %swap3A_169 = arith.constant 0 : index
    %swap3A_170 = arith.constant 0 : index
    %swap3A_171 = vector.load %arg5[%swap3A_169, %swap3A_170] : memref<8x128xi32, #tpu.memory_space<vmem>>, vector<8x128xi32>
    tpu.vector_store %arg5[%swap3A_169, %swap3A_170], %concatenate3A_166 {strides = array<i32>} : memref<8x128xi32, #tpu.memory_space<vmem>>, vector<8x128xi32>,
    %swap3A_172 = arith.constant 0 : index
    %swap3A_173 = arith.constant 0 : index
    %swap3A_174 = vector.load %arg3[%swap3A_172, %swap3A_173] : memref<8x128xi32, #tpu.memory_space<vmem>>, vector<8x128xi32>
    tpu.vector_store %arg3[%swap3A_172, %swap3A_173], %concatenate3A_166 {strides = array<i32>} : memref<8x128xi32, #tpu.memory_space<vmem>>, vector<8x128xi32>,
    return
  }
  func.func @transform_0(%arg0: i32) -> (i32, i32) {
    %c0_i32 = arith.constant 0 : i32
    %c0_i32_0 = arith.constant 0 : i32
    %c0_i32_1 = arith.constant 0 : i32
    return %c0_i32, %c0_i32_0 : i32, i32
  }
  func.func @transform_1(%arg0: i32) -> (i32, i32) {
    %c0_i32 = arith.constant 0 : i32
    %c0_i32_0 = arith.constant 0 : i32
    return %arg0, %c0_i32 : i32, i32
  }
  func.func @transform_2(%arg0: i32) -> (i32, i32) {
    %c0_i32 = arith.constant 0 : i32
    %c0_i32_0 = arith.constant 0 : i32
    %c0_i32_1 = arith.constant 0 : i32
    return %c0_i32, %c0_i32_0 : i32, i32
  }
}

module attributes {stable_mosaic.version = 14 : i64} {
  func.func @_rescore_body(%arg0: i32, %arg1: memref<128x64xf32, #tpu.memory_space<vmem>>, %arg2: memref<4096x64xf32, #tpu.memory_space<vmem>>, %arg3: memref<16x256xi32, #tpu.memory_space<vmem>>, %arg4: memref<16x8xi32, #tpu.memory_space<vmem>>) attributes {dimension_semantics = [#tpu.dimension_semantics<arbitrary>], iteration_bounds = array<i64: 8>, scalar_prefetch = 0 : i64, scratch_operands = 0 : i64, tpu.core_type = #tpu.core_type<tc>, window_params = [{pipeline_mode = #tpu.pipeline_mode<synchronous>, transform_indices = @transform_0, window_bounds = array<i64: 128, 64>}, {transform_indices = @transform_1, window_bounds = array<i64: 4096, 64>}, {transform_indices = @transform_2, window_bounds = array<i64: 16, 256>}, {transform_indices = @transform_3, window_bounds = array<i64: 16, 8>}]} {
    %get3A = arith.constant 0 : index
    %get3A_0 = arith.constant 0 : index
    %get3A_1 = vector.load %arg1[%get3A, %get3A_0] : memref<128x64xf32, #tpu.memory_space<vmem>>, vector<128x64xf32>
    %mul3A = arith.mulf %get3A_1, %get3A_1 : vector<128x64xf32>
    %reduce_sum3A = arith.constant dense<0.000000e+00> : vector<128xf32>
    %reduce_sum3A_2 = vector.multi_reduction <add>, %mul3A, %reduce_sum3A [1] : vector<128x64xf32> to vector<128xf32>
    %broadcast_in_dim3A = vector.shape_cast %reduce_sum3A_2 : vector<128xf32> to vector<128x1xf32>
    %sqrt3A = math.sqrt %broadcast_in_dim3A : vector<128x1xf32>
    %add3A = arith.constant 9.99999997E-7 : f32
    %add3A_3 = vector.broadcast %add3A : f32 to vector<128x1xf32>
    %add3A_4 = arith.addf %sqrt3A, %add3A_3 : vector<128x1xf32>
    %div3A = vector.broadcast %add3A_4 : vector<128x1xf32> to vector<128x64xf32>
    %div3A_5 = arith.divf %get3A_1, %div3A : vector<128x64xf32>
    %convert_element_type3A = arith.truncf %div3A_5 : vector<128x64xf32> to vector<128x64xbf16>
    %get3A_6 = arith.constant 0 : index
    %get3A_7 = arith.constant 0 : index
    %get3A_8 = vector.load %arg2[%get3A_6, %get3A_7] : memref<4096x64xf32, #tpu.memory_space<vmem>>, vector<4096x64xf32>
    %mul3A_9 = arith.mulf %get3A_8, %get3A_8 : vector<4096x64xf32>
    %reduce_sum3A_10 = arith.constant dense<0.000000e+00> : vector<4096xf32>
    %reduce_sum3A_11 = vector.multi_reduction <add>, %mul3A_9, %reduce_sum3A_10 [1] : vector<4096x64xf32> to vector<4096xf32>
    %broadcast_in_dim3A_12 = vector.shape_cast %reduce_sum3A_11 : vector<4096xf32> to vector<4096x1xf32>
    %sqrt3A_13 = math.sqrt %broadcast_in_dim3A_12 : vector<4096x1xf32>
    %add3A_14 = arith.constant 9.99999997E-7 : f32
    %add3A_15 = vector.broadcast %add3A_14 : f32 to vector<4096x1xf32>
    %add3A_16 = arith.addf %sqrt3A_13, %add3A_15 : vector<4096x1xf32>
    %div3A_17 = arith.constant 1.000000e+00 : f32
    %div3A_18 = vector.broadcast %div3A_17 : f32 to vector<4096x1xf32>
    %div3A_19 = arith.divf %div3A_18, %add3A_16 : vector<4096x1xf32>
    %mul3A_20 = vector.broadcast %div3A_19 : vector<4096x1xf32> to vector<4096x64xf32>
    %mul3A_21 = arith.mulf %get3A_8, %mul3A_20 : vector<4096x64xf32>
    %convert_element_type3A_22 = arith.truncf %mul3A_21 : vector<4096x64xf32> to vector<4096x64xbf16>
    %dot_general3A = arith.constant dense<0.000000e+00> : vector<4096x128xf32>
    %dot_general3A_23 = tpu.matmul %convert_element_type3A_22, %convert_element_type3A, %dot_general3A {dimension_numbers = #tpu.dot_dimension_numbers<[1], [1], [0], [0], [0, 0, 1, 0], [], []>, transpose_lhs_hint = false} : vector<4096x64xbf16>, vector<128x64xbf16>, vector<4096x128xf32> -> vector<4096x128xf32>
    %reshape3A = vector.shape_cast %dot_general3A_23 : vector<4096x128xf32> to vector<16x256x128xf32>
    %iota3A = tpu.iota {dimensions = array<i32: 0>} : vector<16x256x128xi32>
    %iota3A_24 = tpu.iota {dimensions = array<i32: 2>} : vector<16x256x128xi32>
    %mul3A_25 = arith.constant 16 : i32
    %mul3A_26 = arith.muli %arg0, %mul3A_25 : i32
    %add3A_27 = vector.broadcast %mul3A_26 : i32 to vector<16x256x128xi32>
    %add3A_28 = arith.addi %add3A_27, %iota3A : vector<16x256x128xi32>
    %eq3A = arith.cmpi eq, %iota3A_24, %add3A_28 : vector<16x256x128xi32>
    %jit3A = arith.constant -3.000000e+38 : f32
    %broadcast_in_dim3A_29 = vector.broadcast %jit3A : f32 to vector<16x256x128xf32>
    %select_n3A = arith.select %eq3A, %reshape3A, %broadcast_in_dim3A_29 : vector<16x256x128xi1>, vector<16x256x128xf32>
    %reduce_max3A = arith.constant dense<0xFF800000> : vector<16x256xf32>
    %reduce_max3A_30 = vector.multi_reduction <maximumf>, %select_n3A, %reduce_max3A [2] : vector<16x256x128xf32> to vector<16x256xf32>
    %get3A_31 = arith.constant 0 : index
    %get3A_32 = arith.constant 0 : index
    %get3A_33 = vector.load %arg3[%get3A_31, %get3A_32] : memref<16x256xi32, #tpu.memory_space<vmem>>, vector<16x256xi32>
    %reduce_max3A_34 = arith.constant dense<0xFF800000> : vector<16xf32>
    %reduce_max3A_35 = vector.multi_reduction <maximumf>, %reduce_max3A_30, %reduce_max3A_34 [1] : vector<16x256xf32> to vector<16xf32>
    %broadcast_in_dim3A_36 = vector.shape_cast %reduce_max3A_35 : vector<16xf32> to vector<16x1xf32>
    %eq3A_37 = vector.broadcast %broadcast_in_dim3A_36 : vector<16x1xf32> to vector<16x256xf32>
    %eq3A_38 = arith.cmpf oeq, %reduce_max3A_30, %eq3A_37 : vector<16x256xf32>
    %jit3A_39 = arith.constant 2147483647 : i32
    %broadcast_in_dim3A_40 = vector.broadcast %jit3A_39 : i32 to vector<16x256xi32>
    %select_n3A_41 = arith.select %eq3A_38, %get3A_33, %broadcast_in_dim3A_40 : vector<16x256xi1>, vector<16x256xi32>
    %reduce_min3A = arith.constant dense<2147483647> : vector<16xi32>
    %reduce_min3A_42 = vector.multi_reduction <minsi>, %select_n3A_41, %reduce_min3A [1] : vector<16x256xi32> to vector<16xi32>
    %broadcast_in_dim3A_43 = vector.shape_cast %reduce_min3A_42 : vector<16xi32> to vector<16x1xi32>
    %eq3A_44 = vector.broadcast %broadcast_in_dim3A_43 : vector<16x1xi32> to vector<16x256xi32>
    %eq3A_45 = arith.cmpi eq, %get3A_33, %eq3A_44 : vector<16x256xi32>
    %and3A = arith.andi %eq3A_38, %eq3A_45 : vector<16x256xi1>
    %jit3A_46 = arith.constant -3.000000e+38 : f32
    %broadcast_in_dim3A_47 = vector.broadcast %jit3A_46 : f32 to vector<16x256xf32>
    %select_n3A_48 = arith.select %and3A, %broadcast_in_dim3A_47, %reduce_max3A_30 : vector<16x256xi1>, vector<16x256xf32>
    %reduce_max3A_49 = arith.constant dense<0xFF800000> : vector<16xf32>
    %reduce_max3A_50 = vector.multi_reduction <maximumf>, %select_n3A_48, %reduce_max3A_49 [1] : vector<16x256xf32> to vector<16xf32>
    %broadcast_in_dim3A_51 = vector.shape_cast %reduce_max3A_50 : vector<16xf32> to vector<16x1xf32>
    %eq3A_52 = vector.broadcast %broadcast_in_dim3A_51 : vector<16x1xf32> to vector<16x256xf32>
    %eq3A_53 = arith.cmpf oeq, %select_n3A_48, %eq3A_52 : vector<16x256xf32>
    %jit3A_54 = arith.constant 2147483647 : i32
    %broadcast_in_dim3A_55 = vector.broadcast %jit3A_54 : i32 to vector<16x256xi32>
    %select_n3A_56 = arith.select %eq3A_53, %get3A_33, %broadcast_in_dim3A_55 : vector<16x256xi1>, vector<16x256xi32>
    %reduce_min3A_57 = arith.constant dense<2147483647> : vector<16xi32>
    %reduce_min3A_58 = vector.multi_reduction <minsi>, %select_n3A_56, %reduce_min3A_57 [1] : vector<16x256xi32> to vector<16xi32>
    %broadcast_in_dim3A_59 = vector.shape_cast %reduce_min3A_58 : vector<16xi32> to vector<16x1xi32>
    %eq3A_60 = vector.broadcast %broadcast_in_dim3A_59 : vector<16x1xi32> to vector<16x256xi32>
    %eq3A_61 = arith.cmpi eq, %get3A_33, %eq3A_60 : vector<16x256xi32>
    %and3A_62 = arith.andi %eq3A_53, %eq3A_61 : vector<16x256xi1>
    %jit3A_63 = arith.constant -3.000000e+38 : f32
    %broadcast_in_dim3A_64 = vector.broadcast %jit3A_63 : f32 to vector<16x256xf32>
    %select_n3A_65 = arith.select %and3A_62, %broadcast_in_dim3A_64, %select_n3A_48 : vector<16x256xi1>, vector<16x256xf32>
    %reduce_max3A_66 = arith.constant dense<0xFF800000> : vector<16xf32>
    %reduce_max3A_67 = vector.multi_reduction <maximumf>, %select_n3A_65, %reduce_max3A_66 [1] : vector<16x256xf32> to vector<16xf32>
    %broadcast_in_dim3A_68 = vector.shape_cast %reduce_max3A_67 : vector<16xf32> to vector<16x1xf32>
    %eq3A_69 = vector.broadcast %broadcast_in_dim3A_68 : vector<16x1xf32> to vector<16x256xf32>
    %eq3A_70 = arith.cmpf oeq, %select_n3A_65, %eq3A_69 : vector<16x256xf32>
    %jit3A_71 = arith.constant 2147483647 : i32
    %broadcast_in_dim3A_72 = vector.broadcast %jit3A_71 : i32 to vector<16x256xi32>
    %select_n3A_73 = arith.select %eq3A_70, %get3A_33, %broadcast_in_dim3A_72 : vector<16x256xi1>, vector<16x256xi32>
    %reduce_min3A_74 = arith.constant dense<2147483647> : vector<16xi32>
    %reduce_min3A_75 = vector.multi_reduction <minsi>, %select_n3A_73, %reduce_min3A_74 [1] : vector<16x256xi32> to vector<16xi32>
    %broadcast_in_dim3A_76 = vector.shape_cast %reduce_min3A_75 : vector<16xi32> to vector<16x1xi32>
    %eq3A_77 = vector.broadcast %broadcast_in_dim3A_76 : vector<16x1xi32> to vector<16x256xi32>
    %eq3A_78 = arith.cmpi eq, %get3A_33, %eq3A_77 : vector<16x256xi32>
    %and3A_79 = arith.andi %eq3A_70, %eq3A_78 : vector<16x256xi1>
    %jit3A_80 = arith.constant -3.000000e+38 : f32
    %broadcast_in_dim3A_81 = vector.broadcast %jit3A_80 : f32 to vector<16x256xf32>
    %select_n3A_82 = arith.select %and3A_79, %broadcast_in_dim3A_81, %select_n3A_65 : vector<16x256xi1>, vector<16x256xf32>
    %reduce_max3A_83 = arith.constant dense<0xFF800000> : vector<16xf32>
    %reduce_max3A_84 = vector.multi_reduction <maximumf>, %select_n3A_82, %reduce_max3A_83 [1] : vector<16x256xf32> to vector<16xf32>
    %broadcast_in_dim3A_85 = vector.shape_cast %reduce_max3A_84 : vector<16xf32> to vector<16x1xf32>
    %eq3A_86 = vector.broadcast %broadcast_in_dim3A_85 : vector<16x1xf32> to vector<16x256xf32>
    %eq3A_87 = arith.cmpf oeq, %select_n3A_82, %eq3A_86 : vector<16x256xf32>
    %jit3A_88 = arith.constant 2147483647 : i32
    %broadcast_in_dim3A_89 = vector.broadcast %jit3A_88 : i32 to vector<16x256xi32>
    %select_n3A_90 = arith.select %eq3A_87, %get3A_33, %broadcast_in_dim3A_89 : vector<16x256xi1>, vector<16x256xi32>
    %reduce_min3A_91 = arith.constant dense<2147483647> : vector<16xi32>
    %reduce_min3A_92 = vector.multi_reduction <minsi>, %select_n3A_90, %reduce_min3A_91 [1] : vector<16x256xi32> to vector<16xi32>
    %broadcast_in_dim3A_93 = vector.shape_cast %reduce_min3A_92 : vector<16xi32> to vector<16x1xi32>
    %eq3A_94 = vector.broadcast %broadcast_in_dim3A_93 : vector<16x1xi32> to vector<16x256xi32>
    %eq3A_95 = arith.cmpi eq, %get3A_33, %eq3A_94 : vector<16x256xi32>
    %and3A_96 = arith.andi %eq3A_87, %eq3A_95 : vector<16x256xi1>
    %jit3A_97 = arith.constant -3.000000e+38 : f32
    %broadcast_in_dim3A_98 = vector.broadcast %jit3A_97 : f32 to vector<16x256xf32>
    %select_n3A_99 = arith.select %and3A_96, %broadcast_in_dim3A_98, %select_n3A_82 : vector<16x256xi1>, vector<16x256xf32>
    %reduce_max3A_100 = arith.constant dense<0xFF800000> : vector<16xf32>
    %reduce_max3A_101 = vector.multi_reduction <maximumf>, %select_n3A_99, %reduce_max3A_100 [1] : vector<16x256xf32> to vector<16xf32>
    %broadcast_in_dim3A_102 = vector.shape_cast %reduce_max3A_101 : vector<16xf32> to vector<16x1xf32>
    %eq3A_103 = vector.broadcast %broadcast_in_dim3A_102 : vector<16x1xf32> to vector<16x256xf32>
    %eq3A_104 = arith.cmpf oeq, %select_n3A_99, %eq3A_103 : vector<16x256xf32>
    %jit3A_105 = arith.constant 2147483647 : i32
    %broadcast_in_dim3A_106 = vector.broadcast %jit3A_105 : i32 to vector<16x256xi32>
    %select_n3A_107 = arith.select %eq3A_104, %get3A_33, %broadcast_in_dim3A_106 : vector<16x256xi1>, vector<16x256xi32>
    %reduce_min3A_108 = arith.constant dense<2147483647> : vector<16xi32>
    %reduce_min3A_109 = vector.multi_reduction <minsi>, %select_n3A_107, %reduce_min3A_108 [1] : vector<16x256xi32> to vector<16xi32>
    %broadcast_in_dim3A_110 = vector.shape_cast %reduce_min3A_109 : vector<16xi32> to vector<16x1xi32>
    %eq3A_111 = vector.broadcast %broadcast_in_dim3A_110 : vector<16x1xi32> to vector<16x256xi32>
    %eq3A_112 = arith.cmpi eq, %get3A_33, %eq3A_111 : vector<16x256xi32>
    %and3A_113 = arith.andi %eq3A_104, %eq3A_112 : vector<16x256xi1>
    %jit3A_114 = arith.constant -3.000000e+38 : f32
    %broadcast_in_dim3A_115 = vector.broadcast %jit3A_114 : f32 to vector<16x256xf32>
    %select_n3A_116 = arith.select %and3A_113, %broadcast_in_dim3A_115, %select_n3A_99 : vector<16x256xi1>, vector<16x256xf32>
    %reduce_max3A_117 = arith.constant dense<0xFF800000> : vector<16xf32>
    %reduce_max3A_118 = vector.multi_reduction <maximumf>, %select_n3A_116, %reduce_max3A_117 [1] : vector<16x256xf32> to vector<16xf32>
    %broadcast_in_dim3A_119 = vector.shape_cast %reduce_max3A_118 : vector<16xf32> to vector<16x1xf32>
    %eq3A_120 = vector.broadcast %broadcast_in_dim3A_119 : vector<16x1xf32> to vector<16x256xf32>
    %eq3A_121 = arith.cmpf oeq, %select_n3A_116, %eq3A_120 : vector<16x256xf32>
    %jit3A_122 = arith.constant 2147483647 : i32
    %broadcast_in_dim3A_123 = vector.broadcast %jit3A_122 : i32 to vector<16x256xi32>
    %select_n3A_124 = arith.select %eq3A_121, %get3A_33, %broadcast_in_dim3A_123 : vector<16x256xi1>, vector<16x256xi32>
    %reduce_min3A_125 = arith.constant dense<2147483647> : vector<16xi32>
    %reduce_min3A_126 = vector.multi_reduction <minsi>, %select_n3A_124, %reduce_min3A_125 [1] : vector<16x256xi32> to vector<16xi32>
    %broadcast_in_dim3A_127 = vector.shape_cast %reduce_min3A_126 : vector<16xi32> to vector<16x1xi32>
    %eq3A_128 = vector.broadcast %broadcast_in_dim3A_127 : vector<16x1xi32> to vector<16x256xi32>
    %eq3A_129 = arith.cmpi eq, %get3A_33, %eq3A_128 : vector<16x256xi32>
    %and3A_130 = arith.andi %eq3A_121, %eq3A_129 : vector<16x256xi1>
    %jit3A_131 = arith.constant -3.000000e+38 : f32
    %broadcast_in_dim3A_132 = vector.broadcast %jit3A_131 : f32 to vector<16x256xf32>
    %select_n3A_133 = arith.select %and3A_130, %broadcast_in_dim3A_132, %select_n3A_116 : vector<16x256xi1>, vector<16x256xf32>
    %reduce_max3A_134 = arith.constant dense<0xFF800000> : vector<16xf32>
    %reduce_max3A_135 = vector.multi_reduction <maximumf>, %select_n3A_133, %reduce_max3A_134 [1] : vector<16x256xf32> to vector<16xf32>
    %broadcast_in_dim3A_136 = vector.shape_cast %reduce_max3A_135 : vector<16xf32> to vector<16x1xf32>
    %eq3A_137 = vector.broadcast %broadcast_in_dim3A_136 : vector<16x1xf32> to vector<16x256xf32>
    %eq3A_138 = arith.cmpf oeq, %select_n3A_133, %eq3A_137 : vector<16x256xf32>
    %jit3A_139 = arith.constant 2147483647 : i32
    %broadcast_in_dim3A_140 = vector.broadcast %jit3A_139 : i32 to vector<16x256xi32>
    %select_n3A_141 = arith.select %eq3A_138, %get3A_33, %broadcast_in_dim3A_140 : vector<16x256xi1>, vector<16x256xi32>
    %reduce_min3A_142 = arith.constant dense<2147483647> : vector<16xi32>
    %reduce_min3A_143 = vector.multi_reduction <minsi>, %select_n3A_141, %reduce_min3A_142 [1] : vector<16x256xi32> to vector<16xi32>
    %broadcast_in_dim3A_144 = vector.shape_cast %reduce_min3A_143 : vector<16xi32> to vector<16x1xi32>
    %eq3A_145 = vector.broadcast %broadcast_in_dim3A_144 : vector<16x1xi32> to vector<16x256xi32>
    %eq3A_146 = arith.cmpi eq, %get3A_33, %eq3A_145 : vector<16x256xi32>
    %and3A_147 = arith.andi %eq3A_138, %eq3A_146 : vector<16x256xi1>
    %jit3A_148 = arith.constant -3.000000e+38 : f32
    %broadcast_in_dim3A_149 = vector.broadcast %jit3A_148 : f32 to vector<16x256xf32>
    %select_n3A_150 = arith.select %and3A_147, %broadcast_in_dim3A_149, %select_n3A_133 : vector<16x256xi1>, vector<16x256xf32>
    %reduce_max3A_151 = arith.constant dense<0xFF800000> : vector<16xf32>
    %reduce_max3A_152 = vector.multi_reduction <maximumf>, %select_n3A_150, %reduce_max3A_151 [1] : vector<16x256xf32> to vector<16xf32>
    %broadcast_in_dim3A_153 = vector.shape_cast %reduce_max3A_152 : vector<16xf32> to vector<16x1xf32>
    %eq3A_154 = vector.broadcast %broadcast_in_dim3A_153 : vector<16x1xf32> to vector<16x256xf32>
    %eq3A_155 = arith.cmpf oeq, %select_n3A_150, %eq3A_154 : vector<16x256xf32>
    %jit3A_156 = arith.constant 2147483647 : i32
    %broadcast_in_dim3A_157 = vector.broadcast %jit3A_156 : i32 to vector<16x256xi32>
    %select_n3A_158 = arith.select %eq3A_155, %get3A_33, %broadcast_in_dim3A_157 : vector<16x256xi1>, vector<16x256xi32>
    %reduce_min3A_159 = arith.constant dense<2147483647> : vector<16xi32>
    %reduce_min3A_160 = vector.multi_reduction <minsi>, %select_n3A_158, %reduce_min3A_159 [1] : vector<16x256xi32> to vector<16xi32>
    %broadcast_in_dim3A_161 = vector.shape_cast %reduce_min3A_160 : vector<16xi32> to vector<16x1xi32>
    %concatenate3A = tpu.concatenate %broadcast_in_dim3A_43, %broadcast_in_dim3A_59, %broadcast_in_dim3A_76, %broadcast_in_dim3A_93, %broadcast_in_dim3A_110, %broadcast_in_dim3A_127, %broadcast_in_dim3A_144, %broadcast_in_dim3A_161 in 1 : vector<16x1xi32>, vector<16x1xi32>, vector<16x1xi32>, vector<16x1xi32>, vector<16x1xi32>, vector<16x1xi32>, vector<16x1xi32>, vector<16x1xi32> -> vector<16x8xi32>
    %swap3A = arith.constant 0 : index
    %swap3A_162 = arith.constant 0 : index
    %swap3A_163 = vector.load %arg4[%swap3A, %swap3A_162] : memref<16x8xi32, #tpu.memory_space<vmem>>, vector<16x8xi32>
    tpu.vector_store %arg4[%swap3A, %swap3A_162], %concatenate3A {strides = array<i32>} : memref<16x8xi32, #tpu.memory_space<vmem>>, vector<16x8xi32>,
    return
  }
  func.func @transform_0(%arg0: i32) -> (i32, i32) {
    %c0_i32 = arith.constant 0 : i32
    %c0_i32_0 = arith.constant 0 : i32
    %c0_i32_1 = arith.constant 0 : i32
    return %c0_i32, %c0_i32_0 : i32, i32
  }
  func.func @transform_1(%arg0: i32) -> (i32, i32) {
    %c0_i32 = arith.constant 0 : i32
    %c0_i32_0 = arith.constant 0 : i32
    return %arg0, %c0_i32 : i32, i32
  }
  func.func @transform_2(%arg0: i32) -> (i32, i32) {
    %c0_i32 = arith.constant 0 : i32
    %c0_i32_0 = arith.constant 0 : i32
    return %arg0, %c0_i32 : i32, i32
  }
  func.func @transform_3(%arg0: i32) -> (i32, i32) {
    %c0_i32 = arith.constant 0 : i32
    %c0_i32_0 = arith.constant 0 : i32
    return %arg0, %c0_i32 : i32, i32
  }
}

module attributes {stable_mosaic.version = 14 : i64} {
  func.func @_proj_body(%arg0: memref<1024x64xf32, #tpu.memory_space<vmem>>, %arg1: memref<1024x64xf32, #tpu.memory_space<vmem>>, %arg2: memref<1024x1024xf32, #tpu.memory_space<vmem>>) attributes {dimension_semantics = [], scalar_prefetch = 0 : i64, scratch_operands = 0 : i64, tpu.core_type = #tpu.core_type<tc>} {
    %get3A = arith.constant 0 : index
    %get3A_0 = arith.constant 0 : index
    %get3A_1 = vector.load %arg0[%get3A, %get3A_0] : memref<1024x64xf32, #tpu.memory_space<vmem>>, vector<1024x64xf32>
    %get3A_2 = arith.constant 0 : index
    %get3A_3 = arith.constant 0 : index
    %get3A_4 = vector.load %arg1[%get3A_2, %get3A_3] : memref<1024x64xf32, #tpu.memory_space<vmem>>, vector<1024x64xf32>
    %dot_general3A = arith.constant dense<0.000000e+00> : vector<1024x1024xf32>
    %dot_general3A_5 = tpu.matmul %get3A_1, %get3A_4, %dot_general3A {dimension_numbers = #tpu.dot_dimension_numbers<[1], [1], [0], [0], [0, 0, 1, 0], [], []>, transpose_lhs_hint = false} : vector<1024x64xf32>, vector<1024x64xf32>, vector<1024x1024xf32> -> vector<1024x1024xf32>
    %swap3A = arith.constant 0 : index
    %swap3A_6 = arith.constant 0 : index
    %swap3A_7 = vector.load %arg2[%swap3A, %swap3A_6] : memref<1024x1024xf32, #tpu.memory_space<vmem>>, vector<1024x1024xf32>
    tpu.vector_store %arg2[%swap3A, %swap3A_6], %dot_general3A_5 {strides = array<i32>} : memref<1024x1024xf32, #tpu.memory_space<vmem>>, vector<1024x1024xf32>,
    return
  }
}

</mosaic_0001>

<sc_bundles>
// kernel: kernel.10.cloned.1.call-start
scs
__scs_entry_jumppad:
0x0: {  	(pc) =	sbr.rel $0x88, $3  }
0x1: {  	(tag) =	ssettag $0x0;
	lr =	simm.s32 $0x1  }
0x2: {  	[smem:$0x3F9D] =	sst lr;
	_ =	strace $0xD0000000  }
0x3: {  	_ = 	snop  }
0x4: {  	_ = 	snop  }
0x5: {  	_ = 	snop  }
0x6: {  	_ = 	snop  }
0x7: {  	_ = 	snop  }
__scs_overlays_trampoline_lowered:
0x8: {  	[smem:$0x3FAC] =	sst s0  }
0x9: {  	[smem:$0x3FAD] =	sst s1  }
0xa: {  	[smem:$0x3FAE] =	sst s2  }
0xb: {  	[smem:$0x3FAF] =	sst s3  }
0xc: {  	[smem:$0x3FB0] =	sst s4  }
0xd: {  	[smem:$0x3FB1] =	sst s5  }
0xe: {  	[smem:$0x3FB2] =	sst s6  }
0xf: {  	[smem:$0x3FB3] =	sst s7  }
0x10: {  	[smem:$0x3FB4] =	sst s8  }
0x11: {  	[smem:$0x3FB5] =	sst s9;
	s0 =	simm.s32 @!p0 $0x0  }
0x12: {  	s1 =	sld [smem:$0x3F9B];
	s0 =	simm.s32 @p0 $0x1  }
0x13: {  	[smem:$0x3FB6] =	sst s0;
	s0 =	simm.s32 @!p1 $0x0  }
0x14: {  	s2 =	sld [smem:$0x3F9A];
	s0 =	simm.s32 @p1 $0x1  }
0x15: {  	[smem:$0x3FB7] =	sst s0;
	s0 =	simm.s32 @!p2 $0x0  }
0x16: {  	s3 =	sld [smem:$0x3FDB];
	s0 =	simm.s32 @p2 $0x1  }
0x17: {  	s4 =	simm.s32 $0x1BF5;
	[smem:$0x3FB9] =	sst s0  }
0x18: {  	s0 =	sld [smem:$0x3F9C];
	_ =	swait.ge [sflag:s4], $0x0  }
0x19: {  	s7 =	sld [smem:$0x3F9D]  }
0x1a: {  	s8 =	sadd.s32 $0xFFFFE003, lr  }
0x1b: {  	s9 =	sadd.s32 $0xFFFFFEF7, lr;
	s5 =	simm.s32 $0xFFFFFFFF;
	p2 =	slt.u32 s8, $0xFFFFF086  }
0x1c: {  	p1 =	slt.u32 s9, $0xF7A;
	s5 =	simm.s32 @!p2 $0x0  }
0x1d: {  	s5 =	simm.s32 @p1 $0x1;
	p0 =	seq.s32 s7, s2  }
0x1e: {  	s7 =	smul.u32 @!p0 $0xF7A, s2;
	p2 =	seq.s32 @!p0 s5, $0x0  }
0x1f: {  	s9 =	smul.u32 $0xF7A, s1;
	s8 =	simm.s32 @!p0 $0x1BF5;
	p2 =	por !p2, p0  }
0x20: {  	[sflag:s8] =	ssyncset.s32 @!p0 $0xFFFFF086;
	s6 =	sadd.s32 @!p0 s3, s7;
	s7 =	simm.s32 @!p0 $0x108  }
0x21: {  	s3 =	sadd.s32 s3, s9;
	s6 =	sadd.s32 @!p0 $0x88, s6;
	s7 =	simm.s32 @p2 $0x1082  }
0x22: {  	[simem:s7], [sflag:s8] =	dma.local @!p0 [hbm:s6], $0xF7A  }
0x23: {  	s9 =	sor.u32 $0xD0000000, s2;
	s6 =	simm.s32 $0x108;
	_ =	swait.ge @!p0 [sflag:s8], $0x0  }
0x24: {  	s3 =	sadd.s32 $0x88, s3;
	s6 =	simm.s32 @!p1 $0x1082;
	[sflag:s4] =	ssyncset.s32 $0xFFFFF086  }
0x25: {  	[simem:s6], [sflag:s4] =	dma.local [hbm:s3], $0xF7A  }
0x26: {  	[smem:$0x3F9D] =	sst s1;
	(tag) =	ssettag s2;
	_ =	strace s9  }
0x27: {  	s1 =	sld [smem:$0x3FAD]  }
0x28: {  	s2 =	sld [smem:$0x3FAE]  }
0x29: {  	s4 =	sld [smem:$0x3FB0]  }
0x2a: {  	p0 =	seq.s32 s5, $0x0;
	s5 =	sld [smem:$0x3FB1]  }
0x2b: {  	s6 =	sld [smem:$0x3FB2]  }
0x2c: {  	s7 =	sld [smem:$0x3FB3]  }
0x2d: {  	s3 =	simm.s32 $0x108;
	s8 =	sld [smem:$0x3FB4]  }
0x2e: {  	s3 =	simm.s32 @!p0 $0x1082;
	s9 =	sld [smem:$0x3FB5]  }
0x2f: {  	lr =	sadd.s32 s0, s3;
	s0 =	sld [smem:$0x3FAC]  }
0x30: {  	s3 =	sld [smem:$0x3FAF]  }
0x31: {  	[smem:$0x3FB8] =	sst s10  }
0x32: {  	s10 =	sld [smem:$0x3FB6];
	_ =	sdelay $0x3  }
0x33: {  	p0 =	seq.s32 s10, $0x1;
	s10 =	sld [smem:$0x3FB8];
	_ =	sdelay $0x3  }
0x34: {  	[smem:$0x3FB8] =	sst s10  }
0x35: {  	s10 =	sld [smem:$0x3FB7];
	_ =	sdelay $0x3  }
0x36: {  	p1 =	seq.s32 s10, $0x1;
	s10 =	sld [smem:$0x3FB8];
	_ =	sdelay $0x3  }
0x37: {  	[smem:$0x3FB8] =	sst s10  }
0x38: {  	s10 =	sld [smem:$0x3FB9]  }
0x39: {  	_ = 	snop;
	(pc) =	sbr.ind lr, $3  }
0x3a: {  	_ = 	snop  }
0x3b: {  	_ = 	snop  }
0x3c: {  	p2 =	seq.s32 s10, $0x1;
	s10 =	sld [smem:$0x3FB8]  }
0x3d: {  	_ =	shalt  }
0x3e: {  	_ =	shalt  }
0x3f: {  	_ =	shalt  }
0x40: {  	_ =	shalt  }
0x41: {  	_ =	shalt  }
0x42: {  	_ =	shalt  }
0x43: {  	_ =	shalt  }
0x44: {  	_ =	shalt  }
0x45: {  	_ =	shalt  }
0x46: {  	_ =	shalt  }
0x47: {  	_ =	shalt  }
0x48: {  	_ =	shalt  }
0x49: {  	_ =	shalt  }
0x4a: {  	_ =	shalt  }
0x4b: {  	_ =	shalt  }
0x4c: {  	_ =	shalt  }
0x4d: {  	_ =	shalt  }
0x4e: {  	_ =	shalt  }
0x4f: {  	_ =	shalt  }
0x50: {  	_ =	shalt  }
0x51: {  	_ =	shalt  }
0x52: {  	_ =	shalt  }
0x53: {  	_ =	shalt  }
0x54: {  	_ =	shalt  }
0x55: {  	_ =	shalt  }
0x56: {  	_ =	shalt  }
0x57: {  	_ =	shalt  }
0x58: {  	_ =	shalt  }
0x59: {  	_ =	shalt  }
0x5a: {  	_ =	shalt  }
0x5b: {  	_ =	shalt  }
0x5c: {  	_ =	shalt  }
0x5d: {  	_ =	shalt  }
0x5e: {  	_ =	shalt  }
0x5f: {  	_ =	shalt  }
0x60: {  	_ =	shalt  }
0x61: {  	_ =	shalt  }
0x62: {  	_ =	shalt  }
0x63: {  	_ =	shalt  }
0x64: {  	_ =	shalt  }
0x65: {  	_ =	shalt  }
0x66: {  	_ =	shalt  }
0x67: {  	_ =	shalt  }
0x68: {  	_ =	shalt  }
0x69: {  	_ =	shalt  }
0x6a: {  	_ =	shalt  }
0x6b: {  	_ =	shalt  }
0x6c: {  	_ =	shalt  }
0x6d: {  	_ =	shalt  }
0x6e: {  	_ =	shalt  }
0x6f: {  	_ =	shalt  }
0x70: {  	_ =	shalt  }
0x71: {  	_ =	shalt  }
0x72: {  	_ =	shalt  }
0x73: {  	_ =	shalt  }
0x74: {  	_ =	shalt  }
0x75: {  	_ =	shalt  }
0x76: {  	_ =	shalt  }
0x77: {  	_ =	shalt  }
0x78: {  	_ =	shalt  }
0x79: {  	_ =	shalt  }
0x7a: {  	_ =	shalt  }
0x7b: {  	_ =	shalt  }
0x7c: {  	_ =	shalt  }
0x7d: {  	_ =	shalt  }
0x7e: {  	_ =	shalt  }
0x7f: {  	_ =	shalt  }
0x80: {  	_ =	shalt  }
0x81: {  	_ =	shalt  }
0x82: {  	_ =	shalt  }
0x83: {  	_ =	shalt  }
0x84: {  	_ =	shalt  }
0x85: {  	_ =	shalt  }
0x86: {  	_ =	shalt  }
0x87: {  	_ =	shalt  }
.Lfunc_end0:
.L_simem_size_0:
called_computation.1_lowered:
.L_overlay_start_0:
0x88: {  	s2 =	sld [smem:$0x3FD9]  }
0x89: {  	s3 =	sld [smem:$0x3FFE];
	_ =	sdelay $0x1  }
0x8a: {  	s1 =	srdreg.scid  }
0x8b: {  	s0 =	sand.u32 $0x1, s1  }
0x8c: {  	s17 =	sshll.u32 s0, $0xA;
	s2 =	sadd.s32 s3, s2  }
0x8d: {  	s2 =	sadd.s32 s2, s17  }
0x8e: {  	[smem:$0x3FC4] =	sst s2  }
0x8f: {  	_ = 	snop  }
0x90: {  	s2 =	sld [smem:$0x3FD0];
	(tm) =	ssettm $0x1  }
0x91: {  	s18 =	sld [smem:$0x3FFB];
	_ =	sdelay $0x3  }
0x92: {  	_ =	strace s18  }
0x93: {  	s3 =	sld [smem:$0x3FFC];
	_ =	sdelay $0x3  }
0x94: {  	_ =	strace s3  }
0x95: {  	s3 =	sld [smem:$0x3FFD];
	_ =	sdelay $0x3  }
0x96: {  	_ =	strace s3  }
0x97: {  	_ =	strace $0x8FFFFFFF  }
0x98: {  	s19 =	sld [smem:$0x3FDB];
	_ =	sdelay $0x1  }
0x99: {  	s4 =	simm.s32 $_scs_section_size  }
0x9a: {  	s5 =	simm.s32 $_size__tile_overlayer_lowered;
	s6 =	simm.s32 $_tile_overlayer_lowered  }
0x9b: {  	s22 =	simm.s32 $0x1BFF;
	s21 =	sshll.u32 s6, $0x1;
	s3 =	sadd.s32 s4, s19  }
0x9c: {  	s7 =	simm.s32 $0x0;
	s20 =	sshll.u32 s5, $0x1;
	s5 =	sadd.s32 s21, s3  }
0x9d: {  	[timem:s7], [sflag:s22] =	dma.local [hbm:s5], s20  }
0x9e: {  	_ =	swait.ge [sflag:s22], s20  }
0x9f: {  	s4 =	ssub.s32 $0x0, s20;
	[sflag:s22] =	ssyncset.done $0x0  }
0xa0: {  	[sflag:s22] =	ssyncadd.s32 s4;
	_ =	sdelay $0x1  }
0xa1: {  	s23 =	simm.s32 $0x1B8B  }
0xa2: {  	_ =	swait.ge [sflag:s23], $0x1  }
0xa3: {  	[sflag:s23] =	ssyncset.done $0x0  }
0xa4: {  	s25 =	simm.s32 $0x1B8E;
	s24 =	sld [smem:$0x3FFE];
	[sflag:s23] =	ssyncadd.s32 $0xFFFFFFFF  }
0xa5: {  	s26 =	simm.s32 $execute0_lowered;
	[smem:$0x3FD2] =	sst s25  }
0xa6: {  	s5 =	sshll.u32 s26, $0x1;
	_ =	strace $0x80000049;
	[dreg:$0x1] =	wrdreg $0xFFFFFFFF  }
0xa7: {  	s28 =	simm.s32 $_size_execute0_lowered;
	s3 =	sadd.s32 s3, s5;
	[dreg:$0x0] =	wrdreg $0x0  }
0xa8: {  	s5 =	sshll.u32 s28, $0x1;
	[dreg:$0x2] =	wrdreg s3  }
0xa9: {  	[dreg:$0x3] =	wrdreg s5  }
0xaa: {  	[dreg:$0x4] =	wrdreg $0xC0  }
0xab: {  	_ =	task [dreg:s7], $0x5FFFF  }
0xac: {  	[dreg:$0x1] =	wrdreg $0xFFFFFFFF  }
0xad: {  	[dreg:$0x0] =	wrdreg $0x60  }
0xae: {  	[dreg:$0x2] =	wrdreg s24  }
0xaf: {  	[dreg:$0x3] =	wrdreg s2  }
0xb0: {  	[dreg:$0x4] =	wrdreg $0x9  }
0xb1: {  	_ =	task.clear_ibuf [dreg:s7], $0x5FFFF;
	_ =	strace $0x90000049  }
0xb2: {  	s29 =	simm.s32 $0x9;
	_ =	strace $0x8000004B  }
0xb3: {  	_ =	swait.ge [sflag:s29], $0x1  }
0xb4: {  	[sflag:s29] =	ssyncadd.s32 $0xFFFFFFFF  }
0xb5: {  	_ =	strace $0x9000004B  }
0xb6: {  	_ =	sfence  }
0xb7: {  	s30 =	sld [smem:$0x0];
	_ =	sdelay $0x2  }
0xb8: {  	s31 =	sshll.u32 s1, $0xD;
	s1 =	sshrl.u32 s1, $0x2  }
0xb9: {  	s3 =	sand.u32 $0x4000, s31;
	s1 =	sadd.s32 s1, s30  }
0xba: {  	s0 =	sor.u32 s3, s0;
	s1 =	sshll.u32 s1, $0x11  }
0xbb: {  	s0 =	sor.u32 s1, s0  }
0xbc: {  	s0 =	sadd.s32 $0x8F2B, s0  }
0xbd: {  	[sflag:s0] =	ssyncadd.remote.s32 $0x1  }
0xbe: {  	_ =	sfence.sel $0xFFFF  }
0xbf: {  	[dreg:$0x0] =	wrdreg $0xFFFFFFFF;
	(pc) =	sbr.abs _section_cstart, $3  }
0xc0: {  	[dreg:$0x1] =	wrdreg $0xFFFFFFFF  }
0xc1: {  	_ =	task.clear_ibuf [dreg:s7], $0x2FFFF;
	_ =	strace $0x9FFFFFFF  }
0xc2: {  	(tm) =	ssettm $0x7FFFFFFF  }
0xc3: {  	_ =	shalt  }
tec
execute0_lowered:
.L_overlay_start_1:
0x0: {  	(tag) =	ssettag $0x1  }
0x1: {  	s1 =	srdreg.scid  }
0x2: {  	s0 =	stileid.u32;
	s6 =	sand.u32 $0x1, s1  }
0x3: {  	s5 =	rddreg [dreg:$0x0];
	s30 =	sshll.u32 s0, $0x6;
	s2 =	sshll.u32 s6, $0x5  }
0x4: {  	s8 =	rddreg [dreg:$0x1];
	s9 =	sor.u32 s2, s30  }
0x5: {  	s1 =	rddreg [dreg:$0x2];
	s2 =	simm.s32 $0x0;
	s3 =	sshrl.u32 s9, $0x3  }
0x6: {  	s10 =	ssub.s32 $0x2, s6;
	[smem:$0x7FF] =	sst s2;
	s3 =	sadd.s32 s3, s5  }
0x7: {  	_ =	strace $0x8000004A;
	s4 =	sadd.s32 $0x1800, s3;
	s3 =	simm.s32 $0x2  }
0x8: {  	[tilespmem:s2], [sflag:$0x2] =	stream.linear.gather [hbm4b:s4+s2], $0x20, $0x38;
	[tilespmem:$0x820] =	vst v63  }
0x9: {  	s7 =	simm.s32 $0x1;
	s11 =	sshrl.u32 s10, $0x1;
	_ =	swait.ge [sflag:s3], $0x20  }
0xa: {  	s6 =	simm.s32 $0x20;
	s10 =	ssub.s32 s10, s11;
	[sflag:s3] =	ssyncset.done $0x0  }
0xb: {  	s5 =	sadd.s32 $0x42A00, s5;
	s31 =	smax.u32 s10, $0x1;
	[sflag:s3] =	ssyncadd.s32 $0xFFFFFFE0  }
0xc: {  	[tilespmem:s6], [sflag:$0x1] =	stream.indirect.gather [hbm4b:s5+s6], $0x40, s2, s6, $0xb8;
	[tilespmem:$0x820] =	vst v63  }
0xd: {  	p0 =	sne.s32 s31, $0x1;
	_ =	swait.ge [sflag:s7], $0x800  }
.Ltmp0:
0xe: {  	s9 =	sshll.u32 s9, $0x3;
	[sflag:s7] =	ssyncset.done $0x0;
	(pc) =	sbr.rel @!p0 .LBB2_2-.Ltmp0, $4  }
0xf: {  	s8 =	sadd.s32 s8, s9;
	[sflag:s7] =	ssyncadd.s32 $0xFFFFF800  }
0x10: {  	[hbm4b:s8+s2] =	stream.linear.scatter [tilespmem:s6], [sflag:$0x2], $0x800, $0x38;
	[tilespmem:$0x820] =	vst v63  }
0x11: {  	_ =	swait.ge [sflag:s3], $0x800  }
0x12: {  	s9 =	sadd.s32 $0xFFFFFFFF, s31;
	[sflag:s3] =	ssyncset.done $0x0  }
.LBB2_1:
0x13: {  	p0 =	sne.s32 s9, $0x1;
	s9 =	sadd.s32 $0xFFFFFFFF, s9;
	[sflag:s3] =	ssyncadd.s32 $0xFFFFF800  }
0x14: {  	[tilespmem:s2], [sflag:$0x2] =	stream.linear.gather [hbm4b:s4+s2], $0x20, $0x38;
	[tilespmem:$0x820] =	vst v63  }
0x15: {  	_ =	swait.ge [sflag:s3], $0x20  }
0x16: {  	[sflag:s3] =	ssyncset.done $0x0  }
0x17: {  	[sflag:s3] =	ssyncadd.s32 $0xFFFFFFE0  }
0x18: {  	[tilespmem:s6], [sflag:$0x1] =	stream.indirect.gather [hbm4b:s5+s6], $0x40, s2, s6, $0xb8;
	[tilespmem:$0x820] =	vst v63  }
0x19: {  	_ =	swait.ge [sflag:s7], $0x800  }
.Ltmp1:
0x1a: {  	[sflag:s7] =	ssyncset.done $0x0;
	(pc) =	sbr.rel @p0 .LBB2_1-.Ltmp1, $4  }
0x1b: {  	[sflag:s7] =	ssyncadd.s32 $0xFFFFF800  }
0x1c: {  	[hbm4b:s8+s2] =	stream.linear.scatter [tilespmem:s6], [sflag:$0x2], $0x800, $0x38;
	[tilespmem:$0x820] =	vst v63  }
0x1d: {  	_ =	swait.ge [sflag:s3], $0x800  }
0x1e: {  	[sflag:s3] =	ssyncset.done $0x0  }
.LBB2_2:
0x1f: {  	[sflag:s3] =	ssyncadd.s32 $0xFFFFF800  }
0x20: {  	_ =	sfence.sel $0x180000  }
0x21: {  	[bflag:$0x0] =	sbarrier.arrive $0xFFFF  }
0x22: {  	p0 =	sne.s32 s0, $0x0;
	_ =	strace $0x9000004A  }
0x23: {  	s0 =	sadd.s32 @!p0 $0x100000, s1;
	[bflag:$0x2] =	sbarrier.arrive $0xFFFF  }
0x24: {  	[sflag:s0] =	ssyncadd.tile.s32 @!p0 $0x1;
	_ =	shalt  }
.Lfunc_end2:
_tile_overlayer_lowered:
.L_overlay_start_2:
0x25: {  	(tag) =	ssettag $0x2  }
0x26: {  	s0 =	rddreg [dreg:$0x0];
	s2 =	stileid.u32  }
0x27: {  	s1 =	rddreg [dreg:$0x1];
	p0 =	sne.s32 s2, $0x0  }
0x28: {  	s3 =	rddreg [dreg:$0x2];
	[bflag:$0x3] =	sbarrier.arrive $0xFFFF;
	s2 =	simm.s32 @!p0 $0x1C02  }
0x29: {  	[timem:s3], [sflag:s2] =	dma.local @!p0 [hbm:s0], s1  }
0x2a: {  	s0 =	simm.s32 @!p0 $0x2  }
0x2b: {  	_ =	swait.ge @!p0 [sflag:s0], s1  }
0x2c: {  	s1 =	ssub.s32 @!p0 $0x0, s1;
	[sflag:s0] =	ssyncset.done @!p0 $0x0  }
0x2d: {  	[sflag:s0] =	ssyncadd.s32 @!p0 s1  }
0x2e: {  	[bflag:$0x3] =	sbarrier.arrive $0xFFFF  }
0x2f: {  	_ =	shalt  }

// kernel: kernel.7.cloned.1.call-start
scs
__scs_entry_jumppad:
0x0: {  	(pc) =	sbr.rel $0x88, $3  }
0x1: {  	(tag) =	ssettag $0x0;
	lr =	simm.s32 $0x1  }
0x2: {  	[smem:$0x3F9D] =	sst lr;
	_ =	strace $0xD0000000  }
0x3: {  	_ = 	snop  }
0x4: {  	_ = 	snop  }
0x5: {  	_ = 	snop  }
0x6: {  	_ = 	snop  }
0x7: {  	_ = 	snop  }
__scs_overlays_trampoline_lowered:
0x8: {  	[smem:$0x3FAC] =	sst s0  }
0x9: {  	[smem:$0x3FAD] =	sst s1  }
0xa: {  	[smem:$0x3FAE] =	sst s2  }
0xb: {  	[smem:$0x3FAF] =	sst s3  }
0xc: {  	[smem:$0x3FB0] =	sst s4  }
0xd: {  	[smem:$0x3FB1] =	sst s5  }
0xe: {  	[smem:$0x3FB2] =	sst s6  }
0xf: {  	[smem:$0x3FB3] =	sst s7  }
0x10: {  	[smem:$0x3FB4] =	sst s8  }
0x11: {  	[smem:$0x3FB5] =	sst s9;
	s0 =	simm.s32 @!p0 $0x0  }
0x12: {  	s1 =	sld [smem:$0x3F9B];
	s0 =	simm.s32 @p0 $0x1  }
0x13: {  	[smem:$0x3FB6] =	sst s0;
	s0 =	simm.s32 @!p1 $0x0  }
0x14: {  	s2 =	sld [smem:$0x3F9A];
	s0 =	simm.s32 @p1 $0x1  }
0x15: {  	[smem:$0x3FB7] =	sst s0;
	s0 =	simm.s32 @!p2 $0x0  }
0x16: {  	s3 =	sld [smem:$0x3FDB];
	s0 =	simm.s32 @p2 $0x1  }
0x17: {  	s4 =	simm.s32 $0x1BF5;
	[smem:$0x3FB9] =	sst s0  }
0x18: {  	s0 =	sld [smem:$0x3F9C];
	_ =	swait.ge [sflag:s4], $0x0  }
0x19: {  	s7 =	sld [smem:$0x3F9D]  }
0x1a: {  	s8 =	sadd.s32 $0xFFFFE003, lr  }
0x1b: {  	s9 =	sadd.s32 $0xFFFFFEF7, lr;
	s5 =	simm.s32 $0xFFFFFFFF;
	p2 =	slt.u32 s8, $0xFFFFF086  }
0x1c: {  	p1 =	slt.u32 s9, $0xF7A;
	s5 =	simm.s32 @!p2 $0x0  }
0x1d: {  	s5 =	simm.s32 @p1 $0x1;
	p0 =	seq.s32 s7, s2  }
0x1e: {  	s7 =	smul.u32 @!p0 $0xF7A, s2;
	p2 =	seq.s32 @!p0 s5, $0x0  }
0x1f: {  	s9 =	smul.u32 $0xF7A, s1;
	s8 =	simm.s32 @!p0 $0x1BF5;
	p2 =	por !p2, p0  }
0x20: {  	[sflag:s8] =	ssyncset.s32 @!p0 $0xFFFFF086;
	s6 =	sadd.s32 @!p0 s3, s7;
	s7 =	simm.s32 @!p0 $0x108  }
0x21: {  	s3 =	sadd.s32 s3, s9;
	s6 =	sadd.s32 @!p0 $0x88, s6;
	s7 =	simm.s32 @p2 $0x1082  }
0x22: {  	[simem:s7], [sflag:s8] =	dma.local @!p0 [hbm:s6], $0xF7A  }
0x23: {  	s9 =	sor.u32 $0xD0000000, s2;
	s6 =	simm.s32 $0x108;
	_ =	swait.ge @!p0 [sflag:s8], $0x0  }
0x24: {  	s3 =	sadd.s32 $0x88, s3;
	s6 =	simm.s32 @!p1 $0x1082;
	[sflag:s4] =	ssyncset.s32 $0xFFFFF086  }
0x25: {  	[simem:s6], [sflag:s4] =	dma.local [hbm:s3], $0xF7A  }
0x26: {  	[smem:$0x3F9D] =	sst s1;
	(tag) =	ssettag s2;
	_ =	strace s9  }
0x27: {  	s1 =	sld [smem:$0x3FAD]  }
0x28: {  	s2 =	sld [smem:$0x3FAE]  }
0x29: {  	s4 =	sld [smem:$0x3FB0]  }
0x2a: {  	p0 =	seq.s32 s5, $0x0;
	s5 =	sld [smem:$0x3FB1]  }
0x2b: {  	s6 =	sld [smem:$0x3FB2]  }
0x2c: {  	s7 =	sld [smem:$0x3FB3]  }
0x2d: {  	s3 =	simm.s32 $0x108;
	s8 =	sld [smem:$0x3FB4]  }
0x2e: {  	s3 =	simm.s32 @!p0 $0x1082;
	s9 =	sld [smem:$0x3FB5]  }
0x2f: {  	lr =	sadd.s32 s0, s3;
	s0 =	sld [smem:$0x3FAC]  }
0x30: {  	s3 =	sld [smem:$0x3FAF]  }
0x31: {  	[smem:$0x3FB8] =	sst s10  }
0x32: {  	s10 =	sld [smem:$0x3FB6];
	_ =	sdelay $0x3  }
0x33: {  	p0 =	seq.s32 s10, $0x1;
	s10 =	sld [smem:$0x3FB8];
	_ =	sdelay $0x3  }
0x34: {  	[smem:$0x3FB8] =	sst s10  }
0x35: {  	s10 =	sld [smem:$0x3FB7];
	_ =	sdelay $0x3  }
0x36: {  	p1 =	seq.s32 s10, $0x1;
	s10 =	sld [smem:$0x3FB8];
	_ =	sdelay $0x3  }
0x37: {  	[smem:$0x3FB8] =	sst s10  }
0x38: {  	s10 =	sld [smem:$0x3FB9]  }
0x39: {  	_ = 	snop;
	(pc) =	sbr.ind lr, $3  }
0x3a: {  	_ = 	snop  }
0x3b: {  	_ = 	snop  }
0x3c: {  	p2 =	seq.s32 s10, $0x1;
	s10 =	sld [smem:$0x3FB8]  }
0x3d: {  	_ =	shalt  }
0x3e: {  	_ =	shalt  }
0x3f: {  	_ =	shalt  }
0x40: {  	_ =	shalt  }
0x41: {  	_ =	shalt  }
0x42: {  	_ =	shalt  }
0x43: {  	_ =	shalt  }
0x44: {  	_ =	shalt  }
0x45: {  	_ =	shalt  }
0x46: {  	_ =	shalt  }
0x47: {  	_ =	shalt  }
0x48: {  	_ =	shalt  }
0x49: {  	_ =	shalt  }
0x4a: {  	_ =	shalt  }
0x4b: {  	_ =	shalt  }
0x4c: {  	_ =	shalt  }
0x4d: {  	_ =	shalt  }
0x4e: {  	_ =	shalt  }
0x4f: {  	_ =	shalt  }
0x50: {  	_ =	shalt  }
0x51: {  	_ =	shalt  }
0x52: {  	_ =	shalt  }
0x53: {  	_ =	shalt  }
0x54: {  	_ =	shalt  }
0x55: {  	_ =	shalt  }
0x56: {  	_ =	shalt  }
0x57: {  	_ =	shalt  }
0x58: {  	_ =	shalt  }
0x59: {  	_ =	shalt  }
0x5a: {  	_ =	shalt  }
0x5b: {  	_ =	shalt  }
0x5c: {  	_ =	shalt  }
0x5d: {  	_ =	shalt  }
0x5e: {  	_ =	shalt  }
0x5f: {  	_ =	shalt  }
0x60: {  	_ =	shalt  }
0x61: {  	_ =	shalt  }
0x62: {  	_ =	shalt  }
0x63: {  	_ =	shalt  }
0x64: {  	_ =	shalt  }
0x65: {  	_ =	shalt  }
0x66: {  	_ =	shalt  }
0x67: {  	_ =	shalt  }
0x68: {  	_ =	shalt  }
0x69: {  	_ =	shalt  }
0x6a: {  	_ =	shalt  }
0x6b: {  	_ =	shalt  }
0x6c: {  	_ =	shalt  }
0x6d: {  	_ =	shalt  }
0x6e: {  	_ =	shalt  }
0x6f: {  	_ =	shalt  }
0x70: {  	_ =	shalt  }
0x71: {  	_ =	shalt  }
0x72: {  	_ =	shalt  }
0x73: {  	_ =	shalt  }
0x74: {  	_ =	shalt  }
0x75: {  	_ =	shalt  }
0x76: {  	_ =	shalt  }
0x77: {  	_ =	shalt  }
0x78: {  	_ =	shalt  }
0x79: {  	_ =	shalt  }
0x7a: {  	_ =	shalt  }
0x7b: {  	_ =	shalt  }
0x7c: {  	_ =	shalt  }
0x7d: {  	_ =	shalt  }
0x7e: {  	_ =	shalt  }
0x7f: {  	_ =	shalt  }
0x80: {  	_ =	shalt  }
0x81: {  	_ =	shalt  }
0x82: {  	_ =	shalt  }
0x83: {  	_ =	shalt  }
0x84: {  	_ =	shalt  }
0x85: {  	_ =	shalt  }
0x86: {  	_ =	shalt  }
0x87: {  	_ =	shalt  }
.Lfunc_end0:
.L_simem_size_0:
called_computation_lowered:
.L_overlay_start_0:
0x88: {  	s2 =	sld [smem:$0x3FD9]  }
0x89: {  	s3 =	sld [smem:$0x3FFE];
	_ =	sdelay $0x1  }
0x8a: {  	s1 =	srdreg.scid  }
0x8b: {  	s0 =	sand.u32 $0x1, s1  }
0x8c: {  	s17 =	sshll.u32 s0, $0xA;
	s2 =	sadd.s32 s3, s2  }
0x8d: {  	s2 =	sadd.s32 s2, s17  }
0x8e: {  	[smem:$0x3FC4] =	sst s2  }
0x8f: {  	_ = 	snop  }
0x90: {  	s2 =	sld [smem:$0x3FD0];
	(tm) =	ssettm $0x1  }
0x91: {  	s18 =	sld [smem:$0x3FFB];
	_ =	sdelay $0x3  }
0x92: {  	_ =	strace s18  }
0x93: {  	s3 =	sld [smem:$0x3FFC];
	_ =	sdelay $0x3  }
0x94: {  	_ =	strace s3  }
0x95: {  	s3 =	sld [smem:$0x3FFD];
	_ =	sdelay $0x3  }
0x96: {  	_ =	strace s3  }
0x97: {  	_ =	strace $0x8FFFFFFF  }
0x98: {  	s19 =	sld [smem:$0x3FDB];
	_ =	sdelay $0x1  }
0x99: {  	s4 =	simm.s32 $_scs_section_size  }
0x9a: {  	s5 =	simm.s32 $_size__tile_overlayer_lowered;
	s6 =	simm.s32 $_tile_overlayer_lowered  }
0x9b: {  	s22 =	simm.s32 $0x1BFF;
	s21 =	sshll.u32 s6, $0x1;
	s3 =	sadd.s32 s4, s19  }
0x9c: {  	s7 =	simm.s32 $0x0;
	s20 =	sshll.u32 s5, $0x1;
	s5 =	sadd.s32 s21, s3  }
0x9d: {  	[timem:s7], [sflag:s22] =	dma.local [hbm:s5], s20  }
0x9e: {  	_ =	swait.ge [sflag:s22], s20  }
0x9f: {  	s4 =	ssub.s32 $0x0, s20;
	[sflag:s22] =	ssyncset.done $0x0  }
0xa0: {  	[sflag:s22] =	ssyncadd.s32 s4;
	_ =	sdelay $0x1  }
0xa1: {  	s23 =	simm.s32 $0x1B8B  }
0xa2: {  	_ =	swait.ge [sflag:s23], $0x1  }
0xa3: {  	[sflag:s23] =	ssyncset.done $0x0  }
0xa4: {  	s25 =	simm.s32 $0x1B8E;
	s24 =	sld [smem:$0x3FFE];
	[sflag:s23] =	ssyncadd.s32 $0xFFFFFFFF  }
0xa5: {  	s26 =	simm.s32 $execute0_lowered;
	[smem:$0x3FD2] =	sst s25  }
0xa6: {  	s5 =	sshll.u32 s26, $0x1;
	_ =	strace $0x80000046;
	[dreg:$0x1] =	wrdreg $0xFFFFFFFF  }
0xa7: {  	s28 =	simm.s32 $_size_execute0_lowered;
	s3 =	sadd.s32 s3, s5;
	[dreg:$0x0] =	wrdreg $0x0  }
0xa8: {  	s5 =	sshll.u32 s28, $0x1;
	[dreg:$0x2] =	wrdreg s3  }
0xa9: {  	[dreg:$0x3] =	wrdreg s5  }
0xaa: {  	[dreg:$0x4] =	wrdreg $0xC0  }
0xab: {  	_ =	task [dreg:s7], $0x5FFFF  }
0xac: {  	[dreg:$0x1] =	wrdreg $0xFFFFFFFF  }
0xad: {  	[dreg:$0x0] =	wrdreg $0x60  }
0xae: {  	[dreg:$0x2] =	wrdreg s24  }
0xaf: {  	[dreg:$0x3] =	wrdreg s2  }
0xb0: {  	[dreg:$0x4] =	wrdreg $0x9  }
0xb1: {  	_ =	task.clear_ibuf [dreg:s7], $0x5FFFF;
	_ =	strace $0x90000046  }
0xb2: {  	s29 =	simm.s32 $0x9;
	_ =	strace $0x80000048  }
0xb3: {  	_ =	swait.ge [sflag:s29], $0x1  }
0xb4: {  	[sflag:s29] =	ssyncadd.s32 $0xFFFFFFFF  }
0xb5: {  	_ =	strace $0x90000048  }
0xb6: {  	_ =	sfence  }
0xb7: {  	s30 =	sld [smem:$0x0];
	_ =	sdelay $0x2  }
0xb8: {  	s31 =	sshll.u32 s1, $0xD;
	s1 =	sshrl.u32 s1, $0x2  }
0xb9: {  	s3 =	sand.u32 $0x4000, s31;
	s1 =	sadd.s32 s1, s30  }
0xba: {  	s0 =	sor.u32 s3, s0;
	s1 =	sshll.u32 s1, $0x11  }
0xbb: {  	s0 =	sor.u32 s1, s0  }
0xbc: {  	s0 =	sadd.s32 $0x8F2B, s0  }
0xbd: {  	[sflag:s0] =	ssyncadd.remote.s32 $0x1  }
0xbe: {  	_ =	sfence.sel $0xFFFF  }
0xbf: {  	[dreg:$0x0] =	wrdreg $0xFFFFFFFF;
	(pc) =	sbr.abs _section_cstart, $3  }
0xc0: {  	[dreg:$0x1] =	wrdreg $0xFFFFFFFF  }
0xc1: {  	_ =	task.clear_ibuf [dreg:s7], $0x2FFFF;
	_ =	strace $0x9FFFFFFF  }
0xc2: {  	(tm) =	ssettm $0x7FFFFFFF  }
0xc3: {  	_ =	shalt  }
tec
execute0_lowered:
.L_overlay_start_1:
0x0: {  	(tag) =	ssettag $0x1  }
0x1: {  	s1 =	srdreg.scid  }
0x2: {  	s8 =	rddreg [dreg:$0x0];
	s0 =	stileid.u32  }
0x3: {  	s3 =	rddreg [dreg:$0x1];
	s2 =	simm.s32 $0x0;
	s6 =	sand.u32 $0x1, s1  }
0x4: {  	s4 =	sshll.u32 s0, $0xB;
	s1 =	rddreg [dreg:$0x2];
	s5 =	sshll.u32 s6, $0xA  }
0x5: {  	s7 =	simm.s32 $0x1;
	[smem:$0x7FF] =	sst s2;
	s9 =	sor.u32 s5, s4  }
0x6: {  	_ =	strace $0x80000047;
	s10 =	ssub.s32 $0x2, s6;
	s4 =	sshrl.u32 s9, $0x3  }
0x7: {  	s6 =	simm.s32 $0x400;
	s4 =	sadd.s32 s3, s4;
	s3 =	simm.s32 $0x2  }
0x8: {  	[tilespmem:s2], [sflag:$0x2] =	stream.linear.gather [hbm4b:s4+s2], $0x400, $0x38;
	[tilespmem:$0x10400] =	vst v63  }
0x9: {  	s5 =	sadd.s32 $0xF44400, s8;
	s11 =	sshrl.u32 s10, $0x1;
	_ =	swait.ge [sflag:s3], $0x400  }
0xa: {  	s9 =	sshll.u32 s9, $0x3;
	s31 =	ssub.s32 s10, s11;
	[sflag:s3] =	ssyncset.done $0x0  }
0xb: {  	s8 =	sadd.s32 s9, s8;
	s9 =	smax.u32 s31, $0x1;
	[sflag:s3] =	ssyncadd.s32 $0xFFFFFC00  }
0xc: {  	[tilespmem:s6], [sflag:$0x1] =	stream.indirect.gather [hbm4b:s5+s6], $0x40, s2, s6, $0xb8;
	[tilespmem:$0x10400] =	vst v63  }
0xd: {  	p0 =	sne.s32 s9, $0x1;
	_ =	swait.ge [sflag:s7], $0x10000  }
.Ltmp0:
0xe: {  	[sflag:s7] =	ssyncset.done $0x0;
	(pc) =	sbr.rel @!p0 .LBB2_2-.Ltmp0, $4  }
0xf: {  	s8 =	sadd.s32 $0x1A00, s8;
	[sflag:s7] =	ssyncadd.s32 $0xFFFF0000  }
0x10: {  	[hbm4b:s8+s2] =	stream.linear.scatter [tilespmem:s6], [sflag:$0x2], $0x10000, $0x38;
	[tilespmem:$0x10400] =	vst v63  }
0x11: {  	_ =	swait.ge [sflag:s3], $0x10000  }
0x12: {  	s9 =	sadd.s32 $0xFFFFFFFF, s9;
	[sflag:s3] =	ssyncset.done $0x0  }
.LBB2_1:
0x13: {  	p0 =	sne.s32 s9, $0x1;
	s9 =	sadd.s32 $0xFFFFFFFF, s9;
	[sflag:s3] =	ssyncadd.s32 $0xFFFF0000  }
0x14: {  	[tilespmem:s2], [sflag:$0x2] =	stream.linear.gather [hbm4b:s4+s2], $0x400, $0x38;
	[tilespmem:$0x10400] =	vst v63  }
0x15: {  	_ =	swait.ge [sflag:s3], $0x400  }
0x16: {  	[sflag:s3] =	ssyncset.done $0x0  }
0x17: {  	[sflag:s3] =	ssyncadd.s32 $0xFFFFFC00  }
0x18: {  	[tilespmem:s6], [sflag:$0x1] =	stream.indirect.gather [hbm4b:s5+s6], $0x40, s2, s6, $0xb8;
	[tilespmem:$0x10400] =	vst v63  }
0x19: {  	_ =	swait.ge [sflag:s7], $0x10000  }
.Ltmp1:
0x1a: {  	[sflag:s7] =	ssyncset.done $0x0;
	(pc) =	sbr.rel @p0 .LBB2_1-.Ltmp1, $4  }
0x1b: {  	[sflag:s7] =	ssyncadd.s32 $0xFFFF0000  }
0x1c: {  	[hbm4b:s8+s2] =	stream.linear.scatter [tilespmem:s6], [sflag:$0x2], $0x10000, $0x38;
	[tilespmem:$0x10400] =	vst v63  }
0x1d: {  	_ =	swait.ge [sflag:s3], $0x10000  }
0x1e: {  	[sflag:s3] =	ssyncset.done $0x0  }
.LBB2_2:
0x1f: {  	[sflag:s3] =	ssyncadd.s32 $0xFFFF0000  }
0x20: {  	_ =	sfence.sel $0x180000  }
0x21: {  	[bflag:$0x0] =	sbarrier.arrive $0xFFFF  }
0x22: {  	p0 =	sne.s32 s0, $0x0;
	_ =	strace $0x90000047  }
0x23: {  	s0 =	sadd.s32 @!p0 $0x100000, s1;
	[bflag:$0x2] =	sbarrier.arrive $0xFFFF  }
0x24: {  	[sflag:s0] =	ssyncadd.tile.s32 @!p0 $0x1;
	_ =	shalt  }
.Lfunc_end2:
_tile_overlayer_lowered:
.L_overlay_start_2:
0x25: {  	(tag) =	ssettag $0x2  }
0x26: {  	s0 =	rddreg [dreg:$0x0];
	s2 =	stileid.u32  }
0x27: {  	s1 =	rddreg [dreg:$0x1];
	p0 =	sne.s32 s2, $0x0  }
0x28: {  	s3 =	rddreg [dreg:$0x2];
	[bflag:$0x3] =	sbarrier.arrive $0xFFFF;
	s2 =	simm.s32 @!p0 $0x1C02  }
0x29: {  	[timem:s3], [sflag:s2] =	dma.local @!p0 [hbm:s0], s1  }
0x2a: {  	s0 =	simm.s32 @!p0 $0x2  }
0x2b: {  	_ =	swait.ge @!p0 [sflag:s0], s1  }
0x2c: {  	s1 =	ssub.s32 @!p0 $0x0, s1;
	[sflag:s0] =	ssyncset.done @!p0 $0x0  }
0x2d: {  	[sflag:s0] =	ssyncadd.s32 @!p0 s1  }
0x2e: {  	[bflag:$0x3] =	sbarrier.arrive $0xFFFF  }
0x2f: {  	_ =	shalt  }

</sc_bundles>
